<compile_context>
chip_gen: v7x
topology: tpu7x:2x2x1
jax: 0.10.2.dev20260603
libtpu: 0.0.44.dev20260713+nightly
codegen_flags: <defaults>
</compile_context>

<pallas_src>
import math

import numpy as np
import jax
import jax.numpy as jnp
from jax import lax
from jax.experimental import pallas as pl
from jax.experimental.pallas import tpu as pltpu
from jax.experimental.pallas import tpu_sc as plsc

_NUM_EMB = 1000000
_DIM = 64
_BATCH = 4096
_SEQ = 200
_LANES = 16

_NC, _NS = 2, 16
_NW = _NC * _NS
_SEQ_PER_W = _BATCH // _NW
_CHUNK_SEQ = 2
_ROWS = _CHUNK_SEQ * _SEQ
_N_CHUNKS = _SEQ_PER_W // _CHUNK_SEQ


def _pos_encoding():
    pos = np.arange(_SEQ, dtype=np.float32)[:, None]
    div = np.exp(np.arange(0, _DIM, 2, dtype=np.float32)
                 * -(math.log(10000.0) / _DIM))
    pe = np.zeros((_SEQ, _DIM), dtype=np.float32)
    pe[:, 0::2] = np.sin(pos * div)
    pe[:, 1::2] = np.cos(pos * div)
    return np.tile(pe, (_CHUNK_SEQ, 1))


_PE = _pos_encoding()


def _body(x_hbm, pe_hbm, table_hbm, out_hbm,
          idx0, idx1, rows0, rows1, pe_v, gsm0, gsm1, osm0, osm1):
    wid = lax.axis_index("s") * _NC + lax.axis_index("c")
    seq0 = wid * _SEQ_PER_W
    pltpu.sync_copy(pe_hbm, pe_v)
    idxs = (idx0, idx1)
    rows = (rows0, rows1)
    gsms = (gsm0, gsm1)
    osms = (osm0, osm1)

    def start_gather(i, b):
        row0 = (seq0 + i * _CHUNK_SEQ) * _SEQ
        pltpu.sync_copy(x_hbm.at[pl.ds(row0, _ROWS)], idxs[b])
        pltpu.async_copy(table_hbm.at[idxs[b]], rows[b], gsms[b])

    start_gather(0, 0)

    def step2(j, carry):
        for b in range(2):
            i = 2 * j + b
            s0 = seq0 + i * _CHUNK_SEQ

            @pl.when(i + 1 < _N_CHUNKS)
            def _():
                start_gather(i + 1, 1 - b)

            pltpu.make_async_copy(table_hbm.at[idxs[b]], rows[b],
                                  gsms[b]).wait()

            @pl.when(i >= 2)
            def _():
                for h in range(_CHUNK_SEQ):
                    pltpu.make_async_copy(
                        rows[b].at[pl.ds(h * _SEQ, _SEQ)],
                        out_hbm.at[s0 + h], osms[b]).wait()

            @plsc.parallel_loop(0, _ROWS, unroll=16)
            def add_row(r):
                for q in range(_DIM // _LANES):
                    sl = pl.ds(q * _LANES, _LANES)
                    rows[b][r, sl] = rows[b][r, sl] + pe_v[r, sl]

            for h in range(_CHUNK_SEQ):
                pltpu.async_copy(rows[b].at[pl.ds(h * _SEQ, _SEQ)],
                                 out_hbm.at[s0 + h], osms[b])
        return carry

    lax.fori_loop(0, _N_CHUNKS // 2, step2, 0)
    for b in range(2):
        for h in range(_CHUNK_SEQ):
            pltpu.make_async_copy(rows[b].at[pl.ds(h * _SEQ, _SEQ)],
                                  out_hbm.at[h], osms[b]).wait()


@jax.jit
def _run(x_flat, pe, table):
    mesh = plsc.VectorSubcoreMesh(core_axis_name="c", subcore_axis_name="s")
    f = pl.kernel(
        _body,
        out_type=jax.ShapeDtypeStruct((_BATCH, _SEQ, _DIM), jnp.float32),
        mesh=mesh,
        scratch_types=[
            pltpu.VMEM((_ROWS,), jnp.int32),
            pltpu.VMEM((_ROWS,), jnp.int32),
            pltpu.VMEM((_ROWS, _DIM), jnp.float32),
            pltpu.VMEM((_ROWS, _DIM), jnp.float32),
            pltpu.VMEM((_ROWS, _DIM), jnp.float32),
            pltpu.SemaphoreType.DMA,
            pltpu.SemaphoreType.DMA,
            pltpu.SemaphoreType.DMA,
            pltpu.SemaphoreType.DMA,
        ],
        compiler_params=pltpu.CompilerParams(use_tc_tiling_on_sc=False),
    )
    return f(x_flat, pe, table)


def kernel(x, table):
    return _run(x.reshape(-1), _PE, table)

# --- scband reference (transcript-rebuilt; emitter-appended) ---
"""Pipeline reference for scband-positional-embedding-20615843020909 (READ-ONLY COPY).

The authoritative reference and input builder live on the scoring server;
editing this copy changes nothing except your own understanding.
"""

import jax, jax.numpy as jnp
import numpy as np

NUM_EMB = 1000000
DIM = 64
MAX_LEN = 10000
BATCH = 4096
SEQ = 200


def _positional_encoding(max_len, d):
    pos = np.arange(max_len, dtype=np.float32)[:, None]
    div = np.exp(np.arange(0, d, 2, dtype=np.float32) * -(np.log(10000.0) / d))
    pe = np.zeros((max_len, d), dtype=np.float32)
    pe[:, 0::2] = np.sin(pos * div)
    pe[:, 1::2] = np.cos(pos * div)
    return jnp.asarray(pe)


def setup_inputs(seed: int = 0):
    key = jax.random.key(seed)
    k1, k2 = jax.random.split(key)
    x = jax.random.randint(k1, (BATCH, SEQ), 0, NUM_EMB, dtype=jnp.int32)
    table = jax.random.normal(k2, (NUM_EMB, DIM), dtype=jnp.float32)
    return {"x": x, "table": table}


def reference(x, table):
    # embedding lookup (gather)
    emb = jnp.take(table, x, axis=0)  # [B, L, D]
    # sinusoidal positional encoding added (non-learned buffer)
    L = x.shape[1]
    pe = _positional_encoding(MAX_LEN, DIM)[:L]  # [L, D]
    return emb + pe[None, :, :]

if __name__ == "__main__":
    import jax
    _d = setup_inputs()
    print(jax.jit(kernel)(*tuple(_d.values())))

</pallas_src>

<mosaic_0001>
#map = affine_map<(d0, d1) -> (0)>
#map1 = affine_map<(d0, d1) -> (0, 0)>
#map2 = affine_map<(d0, d1) -> (0, 0, 0)>
module attributes {stable_mosaic.version = 14 : i64} {
  func.func @_body(%arg0: i32, %arg1: i32, %arg2: memref<819200xi32, #tpu.memory_space<hbm>>, %arg3: memref<400x64xf32, #tpu.memory_space<hbm>>, %arg4: memref<1000000x64xf32, #tpu.memory_space<hbm>>, %arg5: memref<4096x200x64xf32, #tpu.memory_space<hbm>>, %arg6: memref<400xi32, #tpu.memory_space<vmem>>, %arg7: memref<400xi32, #tpu.memory_space<vmem>>, %arg8: memref<400x64xf32, #tpu.memory_space<vmem>>, %arg9: memref<400x64xf32, #tpu.memory_space<vmem>>, %arg10: memref<400x64xf32, #tpu.memory_space<vmem>>, %arg11: memref<!tpu.dma_semaphore, #tpu.memory_space<semaphore_mem>>, %arg12: memref<!tpu.dma_semaphore, #tpu.memory_space<semaphore_mem>>, %arg13: memref<!tpu.dma_semaphore, #tpu.memory_space<semaphore_mem>>, %arg14: memref<!tpu.dma_semaphore, #tpu.memory_space<semaphore_mem>>) attributes {dimension_semantics = [#tpu.dimension_semantics<core_parallel>, #tpu.dimension_semantics<subcore_parallel>], iteration_bounds = array<i64: 2, 16>, scalar_prefetch = 0 : i64, scratch_operands = 9 : i64, tpu.core_type = #tpu.core_type<sc_vector_subcore>, window_params = [{transform_indices = #map}, {transform_indices = #map1}, {transform_indices = #map1}, {transform_indices = #map2}]} {
    %mul3A = arith.constant 2 : i32
    %mul3A_0 = arith.muli %arg1, %mul3A : i32
    %add3A = arith.addi %mul3A_0, %arg0 : i32
    %mul3A_1 = arith.constant 128 : i32
    %mul3A_2 = arith.muli %add3A, %mul3A_1 : i32
    "tpu.region"() ({
      %run_scoped3A = tpu.sem_alloc : memref<!tpu.dma_semaphore, #tpu.memory_space<semaphore_mem>>
      tpu.enqueue_dma source(%arg3 : memref<400x64xf32, #tpu.memory_space<hbm>>) target(%arg10 : memref<400x64xf32, #tpu.memory_space<vmem>>) target_semaphore(%run_scoped3A : memref<!tpu.dma_semaphore, #tpu.memory_space<semaphore_mem>>)
      tpu.wait_dma2 semaphore(%run_scoped3A : memref<!tpu.dma_semaphore, #tpu.memory_space<semaphore_mem>>) src(%arg3 : memref<400x64xf32, #tpu.memory_space<hbm>>) dst(%arg10 : memref<400x64xf32, #tpu.memory_space<vmem>>)
      tpu.yield
    }) : () -> ()
    %add3A_3 = arith.constant 0 : i32
    %add3A_4 = arith.addi %mul3A_2, %add3A_3 : i32
    %mul3A_5 = arith.constant 200 : i32
    %mul3A_6 = arith.muli %add3A_4, %mul3A_5 : i32
    "tpu.region"() ({
      %run_scoped3A = tpu.sem_alloc : memref<!tpu.dma_semaphore, #tpu.memory_space<semaphore_mem>>
      %dma_start3A_73 = tpu.memref_slice %arg2[%mul3A_6] : memref<819200xi32, #tpu.memory_space<hbm>> -> memref<400xi32, #tpu.memory_space<hbm>>
      %dma_start3A_74 = tpu.memref_slice %arg2[%mul3A_6] : memref<819200xi32, #tpu.memory_space<hbm>> -> memref<400xi32, #tpu.memory_space<hbm>>
      tpu.enqueue_dma source(%dma_start3A_74 : memref<400xi32, #tpu.memory_space<hbm>>) target(%arg6 : memref<400xi32, #tpu.memory_space<vmem>>) target_semaphore(%run_scoped3A : memref<!tpu.dma_semaphore, #tpu.memory_space<semaphore_mem>>)
      %dma_wait3A_75 = tpu.memref_slice %arg2[%mul3A_6] : memref<819200xi32, #tpu.memory_space<hbm>> -> memref<400xi32, #tpu.memory_space<hbm>>
      %dma_wait3A_76 = tpu.memref_slice %arg2[%mul3A_6] : memref<819200xi32, #tpu.memory_space<hbm>> -> memref<400xi32, #tpu.memory_space<hbm>>
      tpu.wait_dma2 semaphore(%run_scoped3A : memref<!tpu.dma_semaphore, #tpu.memory_space<semaphore_mem>>) src(%dma_wait3A_76 : memref<400xi32, #tpu.memory_space<hbm>>) dst(%arg6 : memref<400xi32, #tpu.memory_space<vmem>>)
      tpu.yield
    }) : () -> ()
    %dma_start3A = arith.constant 0 : i32
    %dma_start3A_7 = arith.constant 0 : i32
    %dma_start3A_8 = tpu.memref_slice %arg4[%dma_start3A, %dma_start3A_7] : memref<1000000x64xf32, #tpu.memory_space<hbm>> -> memref<1000000x64xf32, #tpu.memory_space<hbm>>
    tpu.enqueue_indirect_dma source(%dma_start3A_8 : memref<1000000x64xf32, #tpu.memory_space<hbm>>) target(%arg8 : memref<400x64xf32, #tpu.memory_space<vmem>>) offsets(%arg6 : memref<400xi32, #tpu.memory_space<vmem>>) semaphore(%arg11 : memref<!tpu.dma_semaphore, #tpu.memory_space<semaphore_mem>>)
    %scan3A = arith.constant 0 : i32
    %scan3A_9 = arith.constant 0 : i32
    %scan3A_10 = arith.constant 32 : i32
    %scan3A_11 = arith.addi %scan3A_9, %scan3A_10 : i32
    %scan3A_12 = arith.constant 1 : i32
    scf.for %scan3A_73 = %scan3A_9 to %scan3A_11 step %scan3A_12  : i32 {
      %mul3A_74 = arith.constant 2 : i32
      %mul3A_75 = arith.muli %mul3A_74, %scan3A_73 : i32
      %add3A_76 = arith.constant 0 : i32
      %add3A_77 = arith.addi %mul3A_75, %add3A_76 : i32
      %mul3A_78 = arith.constant 2 : i32
      %mul3A_79 = arith.muli %add3A_77, %mul3A_78 : i32
      %add3A_80 = arith.addi %mul3A_2, %mul3A_79 : i32
      %add3A_81 = arith.constant 1 : i32
      %add3A_82 = arith.addi %add3A_77, %add3A_81 : i32
      %lt3A = arith.constant 64 : i32
      %lt3A_83 = arith.cmpi slt, %add3A_82, %lt3A : i32
      %convert_element_type3A = arith.extui %lt3A_83 : i1 to i32
      %cond3A = arith.constant 0 : i32
      %cond3A_84 = arith.cmpi ne, %convert_element_type3A, %cond3A : i32
      scf.if %cond3A_84 {
        %add3A_183 = arith.constant 1 : i32
        %add3A_184 = arith.addi %add3A_77, %add3A_183 : i32
        %mul3A_185 = arith.constant 2 : i32
        %mul3A_186 = arith.muli %add3A_184, %mul3A_185 : i32
        %add3A_187 = arith.addi %mul3A_2, %mul3A_186 : i32
        %mul3A_188 = arith.constant 200 : i32
        %mul3A_189 = arith.muli %add3A_187, %mul3A_188 : i32
        "tpu.region"() ({
          %run_scoped3A = tpu.sem_alloc : memref<!tpu.dma_semaphore, #tpu.memory_space<semaphore_mem>>
          %dma_start3A_193 = tpu.memref_slice %arg2[%mul3A_189] : memref<819200xi32, #tpu.memory_space<hbm>> -> memref<400xi32, #tpu.memory_space<hbm>>
          %dma_start3A_194 = tpu.memref_slice %arg2[%mul3A_189] : memref<819200xi32, #tpu.memory_space<hbm>> -> memref<400xi32, #tpu.memory_space<hbm>>
          tpu.enqueue_dma source(%dma_start3A_194 : memref<400xi32, #tpu.memory_space<hbm>>) target(%arg7 : memref<400xi32, #tpu.memory_space<vmem>>) target_semaphore(%run_scoped3A : memref<!tpu.dma_semaphore, #tpu.memory_space<semaphore_mem>>)
          %dma_wait3A_195 = tpu.memref_slice %arg2[%mul3A_189] : memref<819200xi32, #tpu.memory_space<hbm>> -> memref<400xi32, #tpu.memory_space<hbm>>
          %dma_wait3A_196 = tpu.memref_slice %arg2[%mul3A_189] : memref<819200xi32, #tpu.memory_space<hbm>> -> memref<400xi32, #tpu.memory_space<hbm>>
          tpu.wait_dma2 semaphore(%run_scoped3A : memref<!tpu.dma_semaphore, #tpu.memory_space<semaphore_mem>>) src(%dma_wait3A_196 : memref<400xi32, #tpu.memory_space<hbm>>) dst(%arg7 : memref<400xi32, #tpu.memory_space<vmem>>)
          tpu.yield
        }) : () -> ()
        %dma_start3A_190 = arith.constant 0 : i32
        %dma_start3A_191 = arith.constant 0 : i32
        %dma_start3A_192 = tpu.memref_slice %arg4[%dma_start3A_190, %dma_start3A_191] : memref<1000000x64xf32, #tpu.memory_space<hbm>> -> memref<1000000x64xf32, #tpu.memory_space<hbm>>
        tpu.enqueue_indirect_dma source(%dma_start3A_192 : memref<1000000x64xf32, #tpu.memory_space<hbm>>) target(%arg9 : memref<400x64xf32, #tpu.memory_space<vmem>>) offsets(%arg7 : memref<400xi32, #tpu.memory_space<vmem>>) semaphore(%arg12 : memref<!tpu.dma_semaphore, #tpu.memory_space<semaphore_mem>>)
      } else {
      }
      %dma_wait3A_85 = arith.constant 0 : i32
      %dma_wait3A_86 = arith.constant 0 : i32
      %dma_wait3A_87 = tpu.memref_slice %arg4[%dma_wait3A_85, %dma_wait3A_86] : memref<1000000x64xf32, #tpu.memory_space<hbm>> -> memref<1000000x64xf32, #tpu.memory_space<hbm>>
      tpu.wait_indirect_dma semaphore(%arg11 : memref<!tpu.dma_semaphore, #tpu.memory_space<semaphore_mem>>) src(%dma_wait3A_87 : memref<1000000x64xf32, #tpu.memory_space<hbm>>) dst(%arg8 : memref<400x64xf32, #tpu.memory_space<vmem>>)
      %ge3A = arith.constant 2 : i32
      %ge3A_88 = arith.cmpi sge, %add3A_77, %ge3A : i32
      %convert_element_type3A_89 = arith.extui %ge3A_88 : i1 to i32
      %cond3A_90 = arith.constant 0 : i32
      %cond3A_91 = arith.cmpi ne, %convert_element_type3A_89, %cond3A_90 : i32
      scf.if %cond3A_91 {
        %add3A_183 = arith.constant 0 : i32
        %add3A_184 = arith.addi %add3A_80, %add3A_183 : i32
        %dma_wait3A_185 = arith.constant 0 : i32
        %dma_wait3A_186 = arith.constant 0 : i32
        %dma_wait3A_187 = tpu.memref_slice %arg8[%dma_wait3A_185, %dma_wait3A_186] : memref<400x64xf32, #tpu.memory_space<vmem>> -> memref<200x64xf32, #tpu.memory_space<vmem>>
        %dma_wait3A_188 = arith.constant 0 : i32
        %dma_wait3A_189 = arith.constant 0 : i32
        %dma_wait3A_190 = tpu.memref_slice %arg5[%add3A_184, %dma_wait3A_188, %dma_wait3A_189] : memref<4096x200x64xf32, #tpu.memory_space<hbm>> -> memref<1x200x64xf32, #tpu.memory_space<hbm>>
        %dma_wait3A_191 = tpu.memref_squeeze %dma_wait3A_190 : memref<1x200x64xf32, #tpu.memory_space<hbm>> -> memref<200x64xf32, #tpu.memory_space<hbm>>
        %dma_wait3A_192 = arith.constant 0 : i32
        %dma_wait3A_193 = arith.constant 0 : i32
        %dma_wait3A_194 = tpu.memref_slice %arg5[%add3A_184, %dma_wait3A_192, %dma_wait3A_193] : memref<4096x200x64xf32, #tpu.memory_space<hbm>> -> memref<1x200x64xf32, #tpu.memory_space<hbm>>
        %dma_wait3A_195 = tpu.memref_squeeze %dma_wait3A_194 : memref<1x200x64xf32, #tpu.memory_space<hbm>> -> memref<200x64xf32, #tpu.memory_space<hbm>>
        %dma_wait3A_196 = arith.constant 0 : i32
        %dma_wait3A_197 = arith.constant 0 : i32
        %dma_wait3A_198 = tpu.memref_slice %arg8[%dma_wait3A_196, %dma_wait3A_197] : memref<400x64xf32, #tpu.memory_space<vmem>> -> memref<200x64xf32, #tpu.memory_space<vmem>>
        tpu.wait_dma2 semaphore(%arg13 : memref<!tpu.dma_semaphore, #tpu.memory_space<semaphore_mem>>) src(%dma_wait3A_198 : memref<200x64xf32, #tpu.memory_space<vmem>>) dst(%dma_wait3A_195 : memref<200x64xf32, #tpu.memory_space<hbm>>)
        %add3A_199 = arith.constant 1 : i32
        %add3A_200 = arith.addi %add3A_80, %add3A_199 : i32
        %dma_wait3A_201 = arith.constant 200 : i32
        %dma_wait3A_202 = arith.constant 0 : i32
        %dma_wait3A_203 = tpu.memref_slice %arg8[%dma_wait3A_201, %dma_wait3A_202] : memref<400x64xf32, #tpu.memory_space<vmem>> -> memref<200x64xf32, #tpu.memory_space<vmem>>
        %dma_wait3A_204 = arith.constant 0 : i32
        %dma_wait3A_205 = arith.constant 0 : i32
        %dma_wait3A_206 = tpu.memref_slice %arg5[%add3A_200, %dma_wait3A_204, %dma_wait3A_205] : memref<4096x200x64xf32, #tpu.memory_space<hbm>> -> memref<1x200x64xf32, #tpu.memory_space<hbm>>
        %dma_wait3A_207 = tpu.memref_squeeze %dma_wait3A_206 : memref<1x200x64xf32, #tpu.memory_space<hbm>> -> memref<200x64xf32, #tpu.memory_space<hbm>>
        %dma_wait3A_208 = arith.constant 0 : i32
        %dma_wait3A_209 = arith.constant 0 : i32
        %dma_wait3A_210 = tpu.memref_slice %arg5[%add3A_200, %dma_wait3A_208, %dma_wait3A_209] : memref<4096x200x64xf32, #tpu.memory_space<hbm>> -> memref<1x200x64xf32, #tpu.memory_space<hbm>>
        %dma_wait3A_211 = tpu.memref_squeeze %dma_wait3A_210 : memref<1x200x64xf32, #tpu.memory_space<hbm>> -> memref<200x64xf32, #tpu.memory_space<hbm>>
        %dma_wait3A_212 = arith.constant 200 : i32
        %dma_wait3A_213 = arith.constant 0 : i32
        %dma_wait3A_214 = tpu.memref_slice %arg8[%dma_wait3A_212, %dma_wait3A_213] : memref<400x64xf32, #tpu.memory_space<vmem>> -> memref<200x64xf32, #tpu.memory_space<vmem>>
        tpu.wait_dma2 semaphore(%arg13 : memref<!tpu.dma_semaphore, #tpu.memory_space<semaphore_mem>>) src(%dma_wait3A_214 : memref<200x64xf32, #tpu.memory_space<vmem>>) dst(%dma_wait3A_211 : memref<200x64xf32, #tpu.memory_space<hbm>>)
      } else {
      }
      %parallel_loop3A = arith.constant 0 : i32
      %parallel_loop3A_92 = arith.constant 400 : i32
      %parallel_loop3A_93 = arith.constant 1 : i32
      scf.for %parallel_loop3A_183 = %parallel_loop3A to %parallel_loop3A_92 step %parallel_loop3A_93  : i32 {
        %parallel_loop3A_184 = arith.index_cast %parallel_loop3A_183 : i32 to index
        %parallel_loop3A_185 = arith.constant 0 : index
        %parallel_loop3A_186 = tpu.vector_load %arg8[%parallel_loop3A_184, %parallel_loop3A_185] {strides = array<i32>} : memref<400x64xf32, #tpu.memory_space<vmem>>, vector<1x16xf32>,
        %parallel_loop3A_187 = vector.shape_cast %parallel_loop3A_186 : vector<1x16xf32> to vector<16xf32>
        %parallel_loop3A_188 = arith.index_cast %parallel_loop3A_183 : i32 to index
        %parallel_loop3A_189 = arith.constant 0 : index
        %parallel_loop3A_190 = tpu.vector_load %arg10[%parallel_loop3A_188, %parallel_loop3A_189] {strides = array<i32>} : memref<400x64xf32, #tpu.memory_space<vmem>>, vector<1x16xf32>,
        %parallel_loop3A_191 = vector.shape_cast %parallel_loop3A_190 : vector<1x16xf32> to vector<16xf32>
        %parallel_loop3A_192 = arith.addf %parallel_loop3A_187, %parallel_loop3A_191 : vector<16xf32>
        %parallel_loop3A_193 = arith.index_cast %parallel_loop3A_183 : i32 to index
        %parallel_loop3A_194 = arith.constant 0 : index
        %parallel_loop3A_195 = tpu.vector_load %arg8[%parallel_loop3A_193, %parallel_loop3A_194] {strides = array<i32>} : memref<400x64xf32, #tpu.memory_space<vmem>>, vector<1x16xf32>,
        %parallel_loop3A_196 = vector.shape_cast %parallel_loop3A_195 : vector<1x16xf32> to vector<16xf32>
        %parallel_loop3A_197 = vector.shape_cast %parallel_loop3A_192 : vector<16xf32> to vector<1x16xf32>
        tpu.vector_store %arg8[%parallel_loop3A_193, %parallel_loop3A_194], %parallel_loop3A_197 {strides = array<i32>} : memref<400x64xf32, #tpu.memory_space<vmem>>, vector<1x16xf32>,
        %parallel_loop3A_198 = arith.index_cast %parallel_loop3A_183 : i32 to index
        %parallel_loop3A_199 = arith.constant 16 : index
        %parallel_loop3A_200 = tpu.vector_load %arg8[%parallel_loop3A_198, %parallel_loop3A_199] {strides = array<i32>} : memref<400x64xf32, #tpu.memory_space<vmem>>, vector<1x16xf32>,
        %parallel_loop3A_201 = vector.shape_cast %parallel_loop3A_200 : vector<1x16xf32> to vector<16xf32>
        %parallel_loop3A_202 = arith.index_cast %parallel_loop3A_183 : i32 to index
        %parallel_loop3A_203 = arith.constant 16 : index
        %parallel_loop3A_204 = tpu.vector_load %arg10[%parallel_loop3A_202, %parallel_loop3A_203] {strides = array<i32>} : memref<400x64xf32, #tpu.memory_space<vmem>>, vector<1x16xf32>,
        %parallel_loop3A_205 = vector.shape_cast %parallel_loop3A_204 : vector<1x16xf32> to vector<16xf32>
        %parallel_loop3A_206 = arith.addf %parallel_loop3A_201, %parallel_loop3A_205 : vector<16xf32>
        %parallel_loop3A_207 = arith.index_cast %parallel_loop3A_183 : i32 to index
        %parallel_loop3A_208 = arith.constant 16 : index
        %parallel_loop3A_209 = tpu.vector_load %arg8[%parallel_loop3A_207, %parallel_loop3A_208] {strides = array<i32>} : memref<400x64xf32, #tpu.memory_space<vmem>>, vector<1x16xf32>,
        %parallel_loop3A_210 = vector.shape_cast %parallel_loop3A_209 : vector<1x16xf32> to vector<16xf32>
        %parallel_loop3A_211 = vector.shape_cast %parallel_loop3A_206 : vector<16xf32> to vector<1x16xf32>
        tpu.vector_store %arg8[%parallel_loop3A_207, %parallel_loop3A_208], %parallel_loop3A_211 {strides = array<i32>} : memref<400x64xf32, #tpu.memory_space<vmem>>, vector<1x16xf32>,
        %parallel_loop3A_212 = arith.index_cast %parallel_loop3A_183 : i32 to index
        %parallel_loop3A_213 = arith.constant 32 : index
        %parallel_loop3A_214 = tpu.vector_load %arg8[%parallel_loop3A_212, %parallel_loop3A_213] {strides = array<i32>} : memref<400x64xf32, #tpu.memory_space<vmem>>, vector<1x16xf32>,
        %parallel_loop3A_215 = vector.shape_cast %parallel_loop3A_214 : vector<1x16xf32> to vector<16xf32>
        %parallel_loop3A_216 = arith.index_cast %parallel_loop3A_183 : i32 to index
        %parallel_loop3A_217 = arith.constant 32 : index
        %parallel_loop3A_218 = tpu.vector_load %arg10[%parallel_loop3A_216, %parallel_loop3A_217] {strides = array<i32>} : memref<400x64xf32, #tpu.memory_space<vmem>>, vector<1x16xf32>,
        %parallel_loop3A_219 = vector.shape_cast %parallel_loop3A_218 : vector<1x16xf32> to vector<16xf32>
        %parallel_loop3A_220 = arith.addf %parallel_loop3A_215, %parallel_loop3A_219 : vector<16xf32>
        %parallel_loop3A_221 = arith.index_cast %parallel_loop3A_183 : i32 to index
        %parallel_loop3A_222 = arith.constant 32 : index
        %parallel_loop3A_223 = tpu.vector_load %arg8[%parallel_loop3A_221, %parallel_loop3A_222] {strides = array<i32>} : memref<400x64xf32, #tpu.memory_space<vmem>>, vector<1x16xf32>,
        %parallel_loop3A_224 = vector.shape_cast %parallel_loop3A_223 : vector<1x16xf32> to vector<16xf32>
        %parallel_loop3A_225 = vector.shape_cast %parallel_loop3A_220 : vector<16xf32> to vector<1x16xf32>
        tpu.vector_store %arg8[%parallel_loop3A_221, %parallel_loop3A_222], %parallel_loop3A_225 {strides = array<i32>} : memref<400x64xf32, #tpu.memory_space<vmem>>, vector<1x16xf32>,
        %parallel_loop3A_226 = arith.index_cast %parallel_loop3A_183 : i32 to index
        %parallel_loop3A_227 = arith.constant 48 : index
        %parallel_loop3A_228 = tpu.vector_load %arg8[%parallel_loop3A_226, %parallel_loop3A_227] {strides = array<i32>} : memref<400x64xf32, #tpu.memory_space<vmem>>, vector<1x16xf32>,
        %parallel_loop3A_229 = vector.shape_cast %parallel_loop3A_228 : vector<1x16xf32> to vector<16xf32>
        %parallel_loop3A_230 = arith.index_cast %parallel_loop3A_183 : i32 to index
        %parallel_loop3A_231 = arith.constant 48 : index
        %parallel_loop3A_232 = tpu.vector_load %arg10[%parallel_loop3A_230, %parallel_loop3A_231] {strides = array<i32>} : memref<400x64xf32, #tpu.memory_space<vmem>>, vector<1x16xf32>,
        %parallel_loop3A_233 = vector.shape_cast %parallel_loop3A_232 : vector<1x16xf32> to vector<16xf32>
        %parallel_loop3A_234 = arith.addf %parallel_loop3A_229, %parallel_loop3A_233 : vector<16xf32>
        %parallel_loop3A_235 = arith.index_cast %parallel_loop3A_183 : i32 to index
        %parallel_loop3A_236 = arith.constant 48 : index
        %parallel_loop3A_237 = tpu.vector_load %arg8[%parallel_loop3A_235, %parallel_loop3A_236] {strides = array<i32>} : memref<400x64xf32, #tpu.memory_space<vmem>>, vector<1x16xf32>,
        %parallel_loop3A_238 = vector.shape_cast %parallel_loop3A_237 : vector<1x16xf32> to vector<16xf32>
        %parallel_loop3A_239 = vector.shape_cast %parallel_loop3A_234 : vector<16xf32> to vector<1x16xf32>
        tpu.vector_store %arg8[%parallel_loop3A_235, %parallel_loop3A_236], %parallel_loop3A_239 {strides = array<i32>} : memref<400x64xf32, #tpu.memory_space<vmem>>, vector<1x16xf32>,
      } {sc.loop_unroll_factor = 16 : i64, sc.parallel_access}
      %add3A_94 = arith.constant 0 : i32
      %add3A_95 = arith.addi %add3A_80, %add3A_94 : i32
      %dma_start3A_96 = arith.constant 0 : i32
      %dma_start3A_97 = arith.constant 0 : i32
      %dma_start3A_98 = tpu.memref_slice %arg8[%dma_start3A_96, %dma_start3A_97] : memref<400x64xf32, #tpu.memory_space<vmem>> -> memref<200x64xf32, #tpu.memory_space<vmem>>
      %dma_start3A_99 = arith.constant 0 : i32
      %dma_start3A_100 = arith.constant 0 : i32
      %dma_start3A_101 = tpu.memref_slice %arg5[%add3A_95, %dma_start3A_99, %dma_start3A_100] : memref<4096x200x64xf32, #tpu.memory_space<hbm>> -> memref<1x200x64xf32, #tpu.memory_space<hbm>>
      %dma_start3A_102 = tpu.memref_squeeze %dma_start3A_101 : memref<1x200x64xf32, #tpu.memory_space<hbm>> -> memref<200x64xf32, #tpu.memory_space<hbm>>
      %dma_start3A_103 = arith.constant 0 : i32
      %dma_start3A_104 = arith.constant 0 : i32
      %dma_start3A_105 = tpu.memref_slice %arg5[%add3A_95, %dma_start3A_103, %dma_start3A_104] : memref<4096x200x64xf32, #tpu.memory_space<hbm>> -> memref<1x200x64xf32, #tpu.memory_space<hbm>>
      %dma_start3A_106 = tpu.memref_squeeze %dma_start3A_105 : memref<1x200x64xf32, #tpu.memory_space<hbm>> -> memref<200x64xf32, #tpu.memory_space<hbm>>
      %dma_start3A_107 = arith.constant 0 : i32
      %dma_start3A_108 = arith.constant 0 : i32
      %dma_start3A_109 = tpu.memref_slice %arg8[%dma_start3A_107, %dma_start3A_108] : memref<400x64xf32, #tpu.memory_space<vmem>> -> memref<200x64xf32, #tpu.memory_space<vmem>>
      tpu.enqueue_dma source(%dma_start3A_109 : memref<200x64xf32, #tpu.memory_space<vmem>>) target(%dma_start3A_106 : memref<200x64xf32, #tpu.memory_space<hbm>>) target_semaphore(%arg13 : memref<!tpu.dma_semaphore, #tpu.memory_space<semaphore_mem>>)
      %add3A_110 = arith.constant 1 : i32
      %add3A_111 = arith.addi %add3A_80, %add3A_110 : i32
      %dma_start3A_112 = arith.constant 200 : i32
      %dma_start3A_113 = arith.constant 0 : i32
      %dma_start3A_114 = tpu.memref_slice %arg8[%dma_start3A_112, %dma_start3A_113] : memref<400x64xf32, #tpu.memory_space<vmem>> -> memref<200x64xf32, #tpu.memory_space<vmem>>
      %dma_start3A_115 = arith.constant 0 : i32
      %dma_start3A_116 = arith.constant 0 : i32
      %dma_start3A_117 = tpu.memref_slice %arg5[%add3A_111, %dma_start3A_115, %dma_start3A_116] : memref<4096x200x64xf32, #tpu.memory_space<hbm>> -> memref<1x200x64xf32, #tpu.memory_space<hbm>>
      %dma_start3A_118 = tpu.memref_squeeze %dma_start3A_117 : memref<1x200x64xf32, #tpu.memory_space<hbm>> -> memref<200x64xf32, #tpu.memory_space<hbm>>
      %dma_start3A_119 = arith.constant 0 : i32
      %dma_start3A_120 = arith.constant 0 : i32
      %dma_start3A_121 = tpu.memref_slice %arg5[%add3A_111, %dma_start3A_119, %dma_start3A_120] : memref<4096x200x64xf32, #tpu.memory_space<hbm>> -> memref<1x200x64xf32, #tpu.memory_space<hbm>>
      %dma_start3A_122 = tpu.memref_squeeze %dma_start3A_121 : memref<1x200x64xf32, #tpu.memory_space<hbm>> -> memref<200x64xf32, #tpu.memory_space<hbm>>
      %dma_start3A_123 = arith.constant 200 : i32
      %dma_start3A_124 = arith.constant 0 : i32
      %dma_start3A_125 = tpu.memref_slice %arg8[%dma_start3A_123, %dma_start3A_124] : memref<400x64xf32, #tpu.memory_space<vmem>> -> memref<200x64xf32, #tpu.memory_space<vmem>>
      tpu.enqueue_dma source(%dma_start3A_125 : memref<200x64xf32, #tpu.memory_space<vmem>>) target(%dma_start3A_122 : memref<200x64xf32, #tpu.memory_space<hbm>>) target_semaphore(%arg13 : memref<!tpu.dma_semaphore, #tpu.memory_space<semaphore_mem>>)
      %mul3A_126 = arith.constant 2 : i32
      %mul3A_127 = arith.muli %mul3A_126, %scan3A_73 : i32
      %add3A_128 = arith.constant 1 : i32
      %add3A_129 = arith.addi %mul3A_127, %add3A_128 : i32
      %mul3A_130 = arith.constant 2 : i32
      %mul3A_131 = arith.muli %add3A_129, %mul3A_130 : i32
      %add3A_132 = arith.addi %mul3A_2, %mul3A_131 : i32
      %add3A_133 = arith.constant 1 : i32
      %add3A_134 = arith.addi %add3A_129, %add3A_133 : i32
      %lt3A_135 = arith.constant 64 : i32
      %lt3A_136 = arith.cmpi slt, %add3A_134, %lt3A_135 : i32
      %convert_element_type3A_137 = arith.extui %lt3A_136 : i1 to i32
      %cond3A_138 = arith.constant 0 : i32
      %cond3A_139 = arith.cmpi ne, %convert_element_type3A_137, %cond3A_138 : i32
      scf.if %cond3A_139 {
        %add3A_183 = arith.constant 1 : i32
        %add3A_184 = arith.addi %add3A_129, %add3A_183 : i32
        %mul3A_185 = arith.constant 2 : i32
        %mul3A_186 = arith.muli %add3A_184, %mul3A_185 : i32
        %add3A_187 = arith.addi %mul3A_2, %mul3A_186 : i32
        %mul3A_188 = arith.constant 200 : i32
        %mul3A_189 = arith.muli %add3A_187, %mul3A_188 : i32
        "tpu.region"() ({
          %run_scoped3A = tpu.sem_alloc : memref<!tpu.dma_semaphore, #tpu.memory_space<semaphore_mem>>
          %dma_start3A_193 = tpu.memref_slice %arg2[%mul3A_189] : memref<819200xi32, #tpu.memory_space<hbm>> -> memref<400xi32, #tpu.memory_space<hbm>>
          %dma_start3A_194 = tpu.memref_slice %arg2[%mul3A_189] : memref<819200xi32, #tpu.memory_space<hbm>> -> memref<400xi32, #tpu.memory_space<hbm>>
          tpu.enqueue_dma source(%dma_start3A_194 : memref<400xi32, #tpu.memory_space<hbm>>) target(%arg6 : memref<400xi32, #tpu.memory_space<vmem>>) target_semaphore(%run_scoped3A : memref<!tpu.dma_semaphore, #tpu.memory_space<semaphore_mem>>)
          %dma_wait3A_195 = tpu.memref_slice %arg2[%mul3A_189] : memref<819200xi32, #tpu.memory_space<hbm>> -> memref<400xi32, #tpu.memory_space<hbm>>
          %dma_wait3A_196 = tpu.memref_slice %arg2[%mul3A_189] : memref<819200xi32, #tpu.memory_space<hbm>> -> memref<400xi32, #tpu.memory_space<hbm>>
          tpu.wait_dma2 semaphore(%run_scoped3A : memref<!tpu.dma_semaphore, #tpu.memory_space<semaphore_mem>>) src(%dma_wait3A_196 : memref<400xi32, #tpu.memory_space<hbm>>) dst(%arg6 : memref<400xi32, #tpu.memory_space<vmem>>)
          tpu.yield
        }) : () -> ()
        %dma_start3A_190 = arith.constant 0 : i32
        %dma_start3A_191 = arith.constant 0 : i32
        %dma_start3A_192 = tpu.memref_slice %arg4[%dma_start3A_190, %dma_start3A_191] : memref<1000000x64xf32, #tpu.memory_space<hbm>> -> memref<1000000x64xf32, #tpu.memory_space<hbm>>
        tpu.enqueue_indirect_dma source(%dma_start3A_192 : memref<1000000x64xf32, #tpu.memory_space<hbm>>) target(%arg8 : memref<400x64xf32, #tpu.memory_space<vmem>>) offsets(%arg6 : memref<400xi32, #tpu.memory_space<vmem>>) semaphore(%arg11 : memref<!tpu.dma_semaphore, #tpu.memory_space<semaphore_mem>>)
      } else {
      }
      %dma_wait3A_140 = arith.constant 0 : i32
      %dma_wait3A_141 = arith.constant 0 : i32
      %dma_wait3A_142 = tpu.memref_slice %arg4[%dma_wait3A_140, %dma_wait3A_141] : memref<1000000x64xf32, #tpu.memory_space<hbm>> -> memref<1000000x64xf32, #tpu.memory_space<hbm>>
      tpu.wait_indirect_dma semaphore(%arg12 : memref<!tpu.dma_semaphore, #tpu.memory_space<semaphore_mem>>) src(%dma_wait3A_142 : memref<1000000x64xf32, #tpu.memory_space<hbm>>) dst(%arg9 : memref<400x64xf32, #tpu.memory_space<vmem>>)
      %ge3A_143 = arith.constant 2 : i32
      %ge3A_144 = arith.cmpi sge, %add3A_129, %ge3A_143 : i32
      %convert_element_type3A_145 = arith.extui %ge3A_144 : i1 to i32
      %cond3A_146 = arith.constant 0 : i32
      %cond3A_147 = arith.cmpi ne, %convert_element_type3A_145, %cond3A_146 : i32
      scf.if %cond3A_147 {
        %add3A_183 = arith.constant 0 : i32
        %add3A_184 = arith.addi %add3A_132, %add3A_183 : i32
        %dma_wait3A_185 = arith.constant 0 : i32
        %dma_wait3A_186 = arith.constant 0 : i32
        %dma_wait3A_187 = tpu.memref_slice %arg9[%dma_wait3A_185, %dma_wait3A_186] : memref<400x64xf32, #tpu.memory_space<vmem>> -> memref<200x64xf32, #tpu.memory_space<vmem>>
        %dma_wait3A_188 = arith.constant 0 : i32
        %dma_wait3A_189 = arith.constant 0 : i32
        %dma_wait3A_190 = tpu.memref_slice %arg5[%add3A_184, %dma_wait3A_188, %dma_wait3A_189] : memref<4096x200x64xf32, #tpu.memory_space<hbm>> -> memref<1x200x64xf32, #tpu.memory_space<hbm>>
        %dma_wait3A_191 = tpu.memref_squeeze %dma_wait3A_190 : memref<1x200x64xf32, #tpu.memory_space<hbm>> -> memref<200x64xf32, #tpu.memory_space<hbm>>
        %dma_wait3A_192 = arith.constant 0 : i32
        %dma_wait3A_193 = arith.constant 0 : i32
        %dma_wait3A_194 = tpu.memref_slice %arg5[%add3A_184, %dma_wait3A_192, %dma_wait3A_193] : memref<4096x200x64xf32, #tpu.memory_space<hbm>> -> memref<1x200x64xf32, #tpu.memory_space<hbm>>
        %dma_wait3A_195 = tpu.memref_squeeze %dma_wait3A_194 : memref<1x200x64xf32, #tpu.memory_space<hbm>> -> memref<200x64xf32, #tpu.memory_space<hbm>>
        %dma_wait3A_196 = arith.constant 0 : i32
        %dma_wait3A_197 = arith.constant 0 : i32
        %dma_wait3A_198 = tpu.memref_slice %arg9[%dma_wait3A_196, %dma_wait3A_197] : memref<400x64xf32, #tpu.memory_space<vmem>> -> memref<200x64xf32, #tpu.memory_space<vmem>>
        tpu.wait_dma2 semaphore(%arg14 : memref<!tpu.dma_semaphore, #tpu.memory_space<semaphore_mem>>) src(%dma_wait3A_198 : memref<200x64xf32, #tpu.memory_space<vmem>>) dst(%dma_wait3A_195 : memref<200x64xf32, #tpu.memory_space<hbm>>)
        %add3A_199 = arith.constant 1 : i32
        %add3A_200 = arith.addi %add3A_132, %add3A_199 : i32
        %dma_wait3A_201 = arith.constant 200 : i32
        %dma_wait3A_202 = arith.constant 0 : i32
        %dma_wait3A_203 = tpu.memref_slice %arg9[%dma_wait3A_201, %dma_wait3A_202] : memref<400x64xf32, #tpu.memory_space<vmem>> -> memref<200x64xf32, #tpu.memory_space<vmem>>
        %dma_wait3A_204 = arith.constant 0 : i32
        %dma_wait3A_205 = arith.constant 0 : i32
        %dma_wait3A_206 = tpu.memref_slice %arg5[%add3A_200, %dma_wait3A_204, %dma_wait3A_205] : memref<4096x200x64xf32, #tpu.memory_space<hbm>> -> memref<1x200x64xf32, #tpu.memory_space<hbm>>
        %dma_wait3A_207 = tpu.memref_squeeze %dma_wait3A_206 : memref<1x200x64xf32, #tpu.memory_space<hbm>> -> memref<200x64xf32, #tpu.memory_space<hbm>>
        %dma_wait3A_208 = arith.constant 0 : i32
        %dma_wait3A_209 = arith.constant 0 : i32
        %dma_wait3A_210 = tpu.memref_slice %arg5[%add3A_200, %dma_wait3A_208, %dma_wait3A_209] : memref<4096x200x64xf32, #tpu.memory_space<hbm>> -> memref<1x200x64xf32, #tpu.memory_space<hbm>>
        %dma_wait3A_211 = tpu.memref_squeeze %dma_wait3A_210 : memref<1x200x64xf32, #tpu.memory_space<hbm>> -> memref<200x64xf32, #tpu.memory_space<hbm>>
        %dma_wait3A_212 = arith.constant 200 : i32
        %dma_wait3A_213 = arith.constant 0 : i32
        %dma_wait3A_214 = tpu.memref_slice %arg9[%dma_wait3A_212, %dma_wait3A_213] : memref<400x64xf32, #tpu.memory_space<vmem>> -> memref<200x64xf32, #tpu.memory_space<vmem>>
        tpu.wait_dma2 semaphore(%arg14 : memref<!tpu.dma_semaphore, #tpu.memory_space<semaphore_mem>>) src(%dma_wait3A_214 : memref<200x64xf32, #tpu.memory_space<vmem>>) dst(%dma_wait3A_211 : memref<200x64xf32, #tpu.memory_space<hbm>>)
      } else {
      }
      %parallel_loop3A_148 = arith.constant 0 : i32
      %parallel_loop3A_149 = arith.constant 400 : i32
      %parallel_loop3A_150 = arith.constant 1 : i32
      scf.for %parallel_loop3A_183 = %parallel_loop3A_148 to %parallel_loop3A_149 step %parallel_loop3A_150  : i32 {
        %parallel_loop3A_184 = arith.index_cast %parallel_loop3A_183 : i32 to index
        %parallel_loop3A_185 = arith.constant 0 : index
        %parallel_loop3A_186 = tpu.vector_load %arg9[%parallel_loop3A_184, %parallel_loop3A_185] {strides = array<i32>} : memref<400x64xf32, #tpu.memory_space<vmem>>, vector<1x16xf32>,
        %parallel_loop3A_187 = vector.shape_cast %parallel_loop3A_186 : vector<1x16xf32> to vector<16xf32>
        %parallel_loop3A_188 = arith.index_cast %parallel_loop3A_183 : i32 to index
        %parallel_loop3A_189 = arith.constant 0 : index
        %parallel_loop3A_190 = tpu.vector_load %arg10[%parallel_loop3A_188, %parallel_loop3A_189] {strides = array<i32>} : memref<400x64xf32, #tpu.memory_space<vmem>>, vector<1x16xf32>,
        %parallel_loop3A_191 = vector.shape_cast %parallel_loop3A_190 : vector<1x16xf32> to vector<16xf32>
        %parallel_loop3A_192 = arith.addf %parallel_loop3A_187, %parallel_loop3A_191 : vector<16xf32>
        %parallel_loop3A_193 = arith.index_cast %parallel_loop3A_183 : i32 to index
        %parallel_loop3A_194 = arith.constant 0 : index
        %parallel_loop3A_195 = tpu.vector_load %arg9[%parallel_loop3A_193, %parallel_loop3A_194] {strides = array<i32>} : memref<400x64xf32, #tpu.memory_space<vmem>>, vector<1x16xf32>,
        %parallel_loop3A_196 = vector.shape_cast %parallel_loop3A_195 : vector<1x16xf32> to vector<16xf32>
        %parallel_loop3A_197 = vector.shape_cast %parallel_loop3A_192 : vector<16xf32> to vector<1x16xf32>
        tpu.vector_store %arg9[%parallel_loop3A_193, %parallel_loop3A_194], %parallel_loop3A_197 {strides = array<i32>} : memref<400x64xf32, #tpu.memory_space<vmem>>, vector<1x16xf32>,
        %parallel_loop3A_198 = arith.index_cast %parallel_loop3A_183 : i32 to index
        %parallel_loop3A_199 = arith.constant 16 : index
        %parallel_loop3A_200 = tpu.vector_load %arg9[%parallel_loop3A_198, %parallel_loop3A_199] {strides = array<i32>} : memref<400x64xf32, #tpu.memory_space<vmem>>, vector<1x16xf32>,
        %parallel_loop3A_201 = vector.shape_cast %parallel_loop3A_200 : vector<1x16xf32> to vector<16xf32>
        %parallel_loop3A_202 = arith.index_cast %parallel_loop3A_183 : i32 to index
        %parallel_loop3A_203 = arith.constant 16 : index
        %parallel_loop3A_204 = tpu.vector_load %arg10[%parallel_loop3A_202, %parallel_loop3A_203] {strides = array<i32>} : memref<400x64xf32, #tpu.memory_space<vmem>>, vector<1x16xf32>,
        %parallel_loop3A_205 = vector.shape_cast %parallel_loop3A_204 : vector<1x16xf32> to vector<16xf32>
        %parallel_loop3A_206 = arith.addf %parallel_loop3A_201, %parallel_loop3A_205 : vector<16xf32>
        %parallel_loop3A_207 = arith.index_cast %parallel_loop3A_183 : i32 to index
        %parallel_loop3A_208 = arith.constant 16 : index
        %parallel_loop3A_209 = tpu.vector_load %arg9[%parallel_loop3A_207, %parallel_loop3A_208] {strides = array<i32>} : memref<400x64xf32, #tpu.memory_space<vmem>>, vector<1x16xf32>,
        %parallel_loop3A_210 = vector.shape_cast %parallel_loop3A_209 : vector<1x16xf32> to vector<16xf32>
        %parallel_loop3A_211 = vector.shape_cast %parallel_loop3A_206 : vector<16xf32> to vector<1x16xf32>
        tpu.vector_store %arg9[%parallel_loop3A_207, %parallel_loop3A_208], %parallel_loop3A_211 {strides = array<i32>} : memref<400x64xf32, #tpu.memory_space<vmem>>, vector<1x16xf32>,
        %parallel_loop3A_212 = arith.index_cast %parallel_loop3A_183 : i32 to index
        %parallel_loop3A_213 = arith.constant 32 : index
        %parallel_loop3A_214 = tpu.vector_load %arg9[%parallel_loop3A_212, %parallel_loop3A_213] {strides = array<i32>} : memref<400x64xf32, #tpu.memory_space<vmem>>, vector<1x16xf32>,
        %parallel_loop3A_215 = vector.shape_cast %parallel_loop3A_214 : vector<1x16xf32> to vector<16xf32>
        %parallel_loop3A_216 = arith.index_cast %parallel_loop3A_183 : i32 to index
        %parallel_loop3A_217 = arith.constant 32 : index
        %parallel_loop3A_218 = tpu.vector_load %arg10[%parallel_loop3A_216, %parallel_loop3A_217] {strides = array<i32>} : memref<400x64xf32, #tpu.memory_space<vmem>>, vector<1x16xf32>,
        %parallel_loop3A_219 = vector.shape_cast %parallel_loop3A_218 : vector<1x16xf32> to vector<16xf32>
        %parallel_loop3A_220 = arith.addf %parallel_loop3A_215, %parallel_loop3A_219 : vector<16xf32>
        %parallel_loop3A_221 = arith.index_cast %parallel_loop3A_183 : i32 to index
        %parallel_loop3A_222 = arith.constant 32 : index
        %parallel_loop3A_223 = tpu.vector_load %arg9[%parallel_loop3A_221, %parallel_loop3A_222] {strides = array<i32>} : memref<400x64xf32, #tpu.memory_space<vmem>>, vector<1x16xf32>,
        %parallel_loop3A_224 = vector.shape_cast %parallel_loop3A_223 : vector<1x16xf32> to vector<16xf32>
        %parallel_loop3A_225 = vector.shape_cast %parallel_loop3A_220 : vector<16xf32> to vector<1x16xf32>
        tpu.vector_store %arg9[%parallel_loop3A_221, %parallel_loop3A_222], %parallel_loop3A_225 {strides = array<i32>} : memref<400x64xf32, #tpu.memory_space<vmem>>, vector<1x16xf32>,
        %parallel_loop3A_226 = arith.index_cast %parallel_loop3A_183 : i32 to index
        %parallel_loop3A_227 = arith.constant 48 : index
        %parallel_loop3A_228 = tpu.vector_load %arg9[%parallel_loop3A_226, %parallel_loop3A_227] {strides = array<i32>} : memref<400x64xf32, #tpu.memory_space<vmem>>, vector<1x16xf32>,
        %parallel_loop3A_229 = vector.shape_cast %parallel_loop3A_228 : vector<1x16xf32> to vector<16xf32>
        %parallel_loop3A_230 = arith.index_cast %parallel_loop3A_183 : i32 to index
        %parallel_loop3A_231 = arith.constant 48 : index
        %parallel_loop3A_232 = tpu.vector_load %arg10[%parallel_loop3A_230, %parallel_loop3A_231] {strides = array<i32>} : memref<400x64xf32, #tpu.memory_space<vmem>>, vector<1x16xf32>,
        %parallel_loop3A_233 = vector.shape_cast %parallel_loop3A_232 : vector<1x16xf32> to vector<16xf32>
        %parallel_loop3A_234 = arith.addf %parallel_loop3A_229, %parallel_loop3A_233 : vector<16xf32>
        %parallel_loop3A_235 = arith.index_cast %parallel_loop3A_183 : i32 to index
        %parallel_loop3A_236 = arith.constant 48 : index
        %parallel_loop3A_237 = tpu.vector_load %arg9[%parallel_loop3A_235, %parallel_loop3A_236] {strides = array<i32>} : memref<400x64xf32, #tpu.memory_space<vmem>>, vector<1x16xf32>,
        %parallel_loop3A_238 = vector.shape_cast %parallel_loop3A_237 : vector<1x16xf32> to vector<16xf32>
        %parallel_loop3A_239 = vector.shape_cast %parallel_loop3A_234 : vector<16xf32> to vector<1x16xf32>
        tpu.vector_store %arg9[%parallel_loop3A_235, %parallel_loop3A_236], %parallel_loop3A_239 {strides = array<i32>} : memref<400x64xf32, #tpu.memory_space<vmem>>, vector<1x16xf32>,
      } {sc.loop_unroll_factor = 16 : i64, sc.parallel_access}
      %add3A_151 = arith.constant 0 : i32
      %add3A_152 = arith.addi %add3A_132, %add3A_151 : i32
      %dma_start3A_153 = arith.constant 0 : i32
      %dma_start3A_154 = arith.constant 0 : i32
      %dma_start3A_155 = tpu.memref_slice %arg9[%dma_start3A_153, %dma_start3A_154] : memref<400x64xf32, #tpu.memory_space<vmem>> -> memref<200x64xf32, #tpu.memory_space<vmem>>
      %dma_start3A_156 = arith.constant 0 : i32
      %dma_start3A_157 = arith.constant 0 : i32
      %dma_start3A_158 = tpu.memref_slice %arg5[%add3A_152, %dma_start3A_156, %dma_start3A_157] : memref<4096x200x64xf32, #tpu.memory_space<hbm>> -> memref<1x200x64xf32, #tpu.memory_space<hbm>>
      %dma_start3A_159 = tpu.memref_squeeze %dma_start3A_158 : memref<1x200x64xf32, #tpu.memory_space<hbm>> -> memref<200x64xf32, #tpu.memory_space<hbm>>
      %dma_start3A_160 = arith.constant 0 : i32
      %dma_start3A_161 = arith.constant 0 : i32
      %dma_start3A_162 = tpu.memref_slice %arg5[%add3A_152, %dma_start3A_160, %dma_start3A_161] : memref<4096x200x64xf32, #tpu.memory_space<hbm>> -> memref<1x200x64xf32, #tpu.memory_space<hbm>>
      %dma_start3A_163 = tpu.memref_squeeze %dma_start3A_162 : memref<1x200x64xf32, #tpu.memory_space<hbm>> -> memref<200x64xf32, #tpu.memory_space<hbm>>
      %dma_start3A_164 = arith.constant 0 : i32
      %dma_start3A_165 = arith.constant 0 : i32
      %dma_start3A_166 = tpu.memref_slice %arg9[%dma_start3A_164, %dma_start3A_165] : memref<400x64xf32, #tpu.memory_space<vmem>> -> memref<200x64xf32, #tpu.memory_space<vmem>>
      tpu.enqueue_dma source(%dma_start3A_166 : memref<200x64xf32, #tpu.memory_space<vmem>>) target(%dma_start3A_163 : memref<200x64xf32, #tpu.memory_space<hbm>>) target_semaphore(%arg14 : memref<!tpu.dma_semaphore, #tpu.memory_space<semaphore_mem>>)
      %add3A_167 = arith.constant 1 : i32
      %add3A_168 = arith.addi %add3A_132, %add3A_167 : i32
      %dma_start3A_169 = arith.constant 200 : i32
      %dma_start3A_170 = arith.constant 0 : i32
      %dma_start3A_171 = tpu.memref_slice %arg9[%dma_start3A_169, %dma_start3A_170] : memref<400x64xf32, #tpu.memory_space<vmem>> -> memref<200x64xf32, #tpu.memory_space<vmem>>
      %dma_start3A_172 = arith.constant 0 : i32
      %dma_start3A_173 = arith.constant 0 : i32
      %dma_start3A_174 = tpu.memref_slice %arg5[%add3A_168, %dma_start3A_172, %dma_start3A_173] : memref<4096x200x64xf32, #tpu.memory_space<hbm>> -> memref<1x200x64xf32, #tpu.memory_space<hbm>>
      %dma_start3A_175 = tpu.memref_squeeze %dma_start3A_174 : memref<1x200x64xf32, #tpu.memory_space<hbm>> -> memref<200x64xf32, #tpu.memory_space<hbm>>
      %dma_start3A_176 = arith.constant 0 : i32
      %dma_start3A_177 = arith.constant 0 : i32
      %dma_start3A_178 = tpu.memref_slice %arg5[%add3A_168, %dma_start3A_176, %dma_start3A_177] : memref<4096x200x64xf32, #tpu.memory_space<hbm>> -> memref<1x200x64xf32, #tpu.memory_space<hbm>>
      %dma_start3A_179 = tpu.memref_squeeze %dma_start3A_178 : memref<1x200x64xf32, #tpu.memory_space<hbm>> -> memref<200x64xf32, #tpu.memory_space<hbm>>
      %dma_start3A_180 = arith.constant 200 : i32
      %dma_start3A_181 = arith.constant 0 : i32
      %dma_start3A_182 = tpu.memref_slice %arg9[%dma_start3A_180, %dma_start3A_181] : memref<400x64xf32, #tpu.memory_space<vmem>> -> memref<200x64xf32, #tpu.memory_space<vmem>>
      tpu.enqueue_dma source(%dma_start3A_182 : memref<200x64xf32, #tpu.memory_space<vmem>>) target(%dma_start3A_179 : memref<200x64xf32, #tpu.memory_space<hbm>>) target_semaphore(%arg14 : memref<!tpu.dma_semaphore, #tpu.memory_space<semaphore_mem>>)
    }
    %scan3A_13 = arith.constant 32 : i32
    %dma_wait3A = arith.constant 0 : i32
    %dma_wait3A_14 = arith.constant 0 : i32
    %dma_wait3A_15 = arith.constant 0 : i32
    %dma_wait3A_16 = tpu.memref_slice %arg8[%dma_wait3A_14, %dma_wait3A_15] : memref<400x64xf32, #tpu.memory_space<vmem>> -> memref<200x64xf32, #tpu.memory_space<vmem>>
    %dma_wait3A_17 = arith.constant 0 : i32
    %dma_wait3A_18 = arith.constant 0 : i32
    %dma_wait3A_19 = tpu.memref_slice %arg5[%dma_wait3A, %dma_wait3A_17, %dma_wait3A_18] : memref<4096x200x64xf32, #tpu.memory_space<hbm>> -> memref<1x200x64xf32, #tpu.memory_space<hbm>>
    %dma_wait3A_20 = tpu.memref_squeeze %dma_wait3A_19 : memref<1x200x64xf32, #tpu.memory_space<hbm>> -> memref<200x64xf32, #tpu.memory_space<hbm>>
    %dma_wait3A_21 = arith.constant 0 : i32
    %dma_wait3A_22 = arith.constant 0 : i32
    %dma_wait3A_23 = tpu.memref_slice %arg5[%dma_wait3A, %dma_wait3A_21, %dma_wait3A_22] : memref<4096x200x64xf32, #tpu.memory_space<hbm>> -> memref<1x200x64xf32, #tpu.memory_space<hbm>>
    %dma_wait3A_24 = tpu.memref_squeeze %dma_wait3A_23 : memref<1x200x64xf32, #tpu.memory_space<hbm>> -> memref<200x64xf32, #tpu.memory_space<hbm>>
    %dma_wait3A_25 = arith.constant 0 : i32
    %dma_wait3A_26 = arith.constant 0 : i32
    %dma_wait3A_27 = tpu.memref_slice %arg8[%dma_wait3A_25, %dma_wait3A_26] : memref<400x64xf32, #tpu.memory_space<vmem>> -> memref<200x64xf32, #tpu.memory_space<vmem>>
    tpu.wait_dma2 semaphore(%arg13 : memref<!tpu.dma_semaphore, #tpu.memory_space<semaphore_mem>>) src(%dma_wait3A_27 : memref<200x64xf32, #tpu.memory_space<vmem>>) dst(%dma_wait3A_24 : memref<200x64xf32, #tpu.memory_space<hbm>>)
    %dma_wait3A_28 = arith.constant 1 : i32
    %dma_wait3A_29 = arith.constant 200 : i32
    %dma_wait3A_30 = arith.constant 0 : i32
    %dma_wait3A_31 = tpu.memref_slice %arg8[%dma_wait3A_29, %dma_wait3A_30] : memref<400x64xf32, #tpu.memory_space<vmem>> -> memref<200x64xf32, #tpu.memory_space<vmem>>
    %dma_wait3A_32 = arith.constant 0 : i32
    %dma_wait3A_33 = arith.constant 0 : i32
    %dma_wait3A_34 = tpu.memref_slice %arg5[%dma_wait3A_28, %dma_wait3A_32, %dma_wait3A_33] : memref<4096x200x64xf32, #tpu.memory_space<hbm>> -> memref<1x200x64xf32, #tpu.memory_space<hbm>>
    %dma_wait3A_35 = tpu.memref_squeeze %dma_wait3A_34 : memref<1x200x64xf32, #tpu.memory_space<hbm>> -> memref<200x64xf32, #tpu.memory_space<hbm>>
    %dma_wait3A_36 = arith.constant 0 : i32
    %dma_wait3A_37 = arith.constant 0 : i32
    %dma_wait3A_38 = tpu.memref_slice %arg5[%dma_wait3A_28, %dma_wait3A_36, %dma_wait3A_37] : memref<4096x200x64xf32, #tpu.memory_space<hbm>> -> memref<1x200x64xf32, #tpu.memory_space<hbm>>
    %dma_wait3A_39 = tpu.memref_squeeze %dma_wait3A_38 : memref<1x200x64xf32, #tpu.memory_space<hbm>> -> memref<200x64xf32, #tpu.memory_space<hbm>>
    %dma_wait3A_40 = arith.constant 200 : i32
    %dma_wait3A_41 = arith.constant 0 : i32
    %dma_wait3A_42 = tpu.memref_slice %arg8[%dma_wait3A_40, %dma_wait3A_41] : memref<400x64xf32, #tpu.memory_space<vmem>> -> memref<200x64xf32, #tpu.memory_space<vmem>>
    tpu.wait_dma2 semaphore(%arg13 : memref<!tpu.dma_semaphore, #tpu.memory_space<semaphore_mem>>) src(%dma_wait3A_42 : memref<200x64xf32, #tpu.memory_space<vmem>>) dst(%dma_wait3A_39 : memref<200x64xf32, #tpu.memory_space<hbm>>)
    %dma_wait3A_43 = arith.constant 0 : i32
    %dma_wait3A_44 = arith.constant 0 : i32
    %dma_wait3A_45 = arith.constant 0 : i32
    %dma_wait3A_46 = tpu.memref_slice %arg9[%dma_wait3A_44, %dma_wait3A_45] : memref<400x64xf32, #tpu.memory_space<vmem>> -> memref<200x64xf32, #tpu.memory_space<vmem>>
    %dma_wait3A_47 = arith.constant 0 : i32
    %dma_wait3A_48 = arith.constant 0 : i32
    %dma_wait3A_49 = tpu.memref_slice %arg5[%dma_wait3A_43, %dma_wait3A_47, %dma_wait3A_48] : memref<4096x200x64xf32, #tpu.memory_space<hbm>> -> memref<1x200x64xf32, #tpu.memory_space<hbm>>
    %dma_wait3A_50 = tpu.memref_squeeze %dma_wait3A_49 : memref<1x200x64xf32, #tpu.memory_space<hbm>> -> memref<200x64xf32, #tpu.memory_space<hbm>>
    %dma_wait3A_51 = arith.constant 0 : i32
    %dma_wait3A_52 = arith.constant 0 : i32
    %dma_wait3A_53 = tpu.memref_slice %arg5[%dma_wait3A_43, %dma_wait3A_51, %dma_wait3A_52] : memref<4096x200x64xf32, #tpu.memory_space<hbm>> -> memref<1x200x64xf32, #tpu.memory_space<hbm>>
    %dma_wait3A_54 = tpu.memref_squeeze %dma_wait3A_53 : memref<1x200x64xf32, #tpu.memory_space<hbm>> -> memref<200x64xf32, #tpu.memory_space<hbm>>
    %dma_wait3A_55 = arith.constant 0 : i32
    %dma_wait3A_56 = arith.constant 0 : i32
    %dma_wait3A_57 = tpu.memref_slice %arg9[%dma_wait3A_55, %dma_wait3A_56] : memref<400x64xf32, #tpu.memory_space<vmem>> -> memref<200x64xf32, #tpu.memory_space<vmem>>
    tpu.wait_dma2 semaphore(%arg14 : memref<!tpu.dma_semaphore, #tpu.memory_space<semaphore_mem>>) src(%dma_wait3A_57 : memref<200x64xf32, #tpu.memory_space<vmem>>) dst(%dma_wait3A_54 : memref<200x64xf32, #tpu.memory_space<hbm>>)
    %dma_wait3A_58 = arith.constant 1 : i32
    %dma_wait3A_59 = arith.constant 200 : i32
    %dma_wait3A_60 = arith.constant 0 : i32
    %dma_wait3A_61 = tpu.memref_slice %arg9[%dma_wait3A_59, %dma_wait3A_60] : memref<400x64xf32, #tpu.memory_space<vmem>> -> memref<200x64xf32, #tpu.memory_space<vmem>>
    %dma_wait3A_62 = arith.constant 0 : i32
    %dma_wait3A_63 = arith.constant 0 : i32
    %dma_wait3A_64 = tpu.memref_slice %arg5[%dma_wait3A_58, %dma_wait3A_62, %dma_wait3A_63] : memref<4096x200x64xf32, #tpu.memory_space<hbm>> -> memref<1x200x64xf32, #tpu.memory_space<hbm>>
    %dma_wait3A_65 = tpu.memref_squeeze %dma_wait3A_64 : memref<1x200x64xf32, #tpu.memory_space<hbm>> -> memref<200x64xf32, #tpu.memory_space<hbm>>
    %dma_wait3A_66 = arith.constant 0 : i32
    %dma_wait3A_67 = arith.constant 0 : i32
    %dma_wait3A_68 = tpu.memref_slice %arg5[%dma_wait3A_58, %dma_wait3A_66, %dma_wait3A_67] : memref<4096x200x64xf32, #tpu.memory_space<hbm>> -> memref<1x200x64xf32, #tpu.memory_space<hbm>>
    %dma_wait3A_69 = tpu.memref_squeeze %dma_wait3A_68 : memref<1x200x64xf32, #tpu.memory_space<hbm>> -> memref<200x64xf32, #tpu.memory_space<hbm>>
    %dma_wait3A_70 = arith.constant 200 : i32
    %dma_wait3A_71 = arith.constant 0 : i32
    %dma_wait3A_72 = tpu.memref_slice %arg9[%dma_wait3A_70, %dma_wait3A_71] : memref<400x64xf32, #tpu.memory_space<vmem>> -> memref<200x64xf32, #tpu.memory_space<vmem>>
    tpu.wait_dma2 semaphore(%arg14 : memref<!tpu.dma_semaphore, #tpu.memory_space<semaphore_mem>>) src(%dma_wait3A_72 : memref<200x64xf32, #tpu.memory_space<vmem>>) dst(%dma_wait3A_69 : memref<200x64xf32, #tpu.memory_space<hbm>>)
    return
  }
}

</mosaic_0001>

<sc_bundles>
// kernel: _run.3.cloned.1.call-start
scs
__scs_entry_jumppad:
0x0: {  	(pc) =	sbr.rel $0x88, $3  }
0x1: {  	(tag) =	ssettag $0x0;
	lr =	simm.s32 $0x1  }
0x2: {  	[smem:$0x3F9E] =	sst lr;
	_ =	strace $0xD0000000  }
0x3: {  	_ = 	snop  }
0x4: {  	_ = 	snop  }
0x5: {  	_ = 	snop  }
0x6: {  	_ = 	snop  }
0x7: {  	_ = 	snop  }
__scs_overlays_trampoline_lowered:
0x8: {  	[smem:$0x3FAD] =	sst s0  }
0x9: {  	[smem:$0x3FAE] =	sst s1  }
0xa: {  	[smem:$0x3FAF] =	sst s2  }
0xb: {  	[smem:$0x3FB0] =	sst s3  }
0xc: {  	[smem:$0x3FB1] =	sst s4  }
0xd: {  	[smem:$0x3FB2] =	sst s5  }
0xe: {  	[smem:$0x3FB3] =	sst s6  }
0xf: {  	[smem:$0x3FB4] =	sst s7  }
0x10: {  	[smem:$0x3FB5] =	sst s8  }
0x11: {  	[smem:$0x3FB6] =	sst s9;
	s0 =	simm.s32 @!p0 $0x0  }
0x12: {  	s1 =	sld [smem:$0x3F9C];
	s0 =	simm.s32 @p0 $0x1  }
0x13: {  	[smem:$0x3FB7] =	sst s0;
	s0 =	simm.s32 @!p1 $0x0  }
0x14: {  	s2 =	sld [smem:$0x3F9B];
	s0 =	simm.s32 @p1 $0x1  }
0x15: {  	[smem:$0x3FB8] =	sst s0;
	s0 =	simm.s32 @!p2 $0x0  }
0x16: {  	s3 =	sld [smem:$0x3FDB];
	s0 =	simm.s32 @p2 $0x1  }
0x17: {  	s4 =	simm.s32 $0x1BF5;
	[smem:$0x3FBA] =	sst s0  }
0x18: {  	s0 =	sld [smem:$0x3F9D];
	_ =	swait.ge [sflag:s4], $0x0  }
0x19: {  	s7 =	sld [smem:$0x3F9E]  }
0x1a: {  	s8 =	sadd.s32 $0xFFFFE003, lr  }
0x1b: {  	s9 =	sadd.s32 $0xFFFFFEF7, lr;
	s5 =	simm.s32 $0xFFFFFFFF;
	p2 =	slt.u32 s8, $0xFFFFF086  }
0x1c: {  	p1 =	slt.u32 s9, $0xF7A;
	s5 =	simm.s32 @!p2 $0x0  }
0x1d: {  	s5 =	simm.s32 @p1 $0x1;
	p0 =	seq.s32 s7, s2  }
0x1e: {  	s7 =	smul.u32 @!p0 $0xF7A, s2;
	p2 =	seq.s32 @!p0 s5, $0x0  }
0x1f: {  	s9 =	smul.u32 $0xF7A, s1;
	s8 =	simm.s32 @!p0 $0x1BF5;
	p2 =	por !p2, p0  }
0x20: {  	[sflag:s8] =	ssyncset.s32 @!p0 $0xFFFFF086;
	s6 =	sadd.s32 @!p0 s3, s7;
	s7 =	simm.s32 @!p0 $0x108  }
0x21: {  	s3 =	sadd.s32 s3, s9;
	s6 =	sadd.s32 @!p0 $0x88, s6;
	s7 =	simm.s32 @p2 $0x1082  }
0x22: {  	[simem:s7], [sflag:s8] =	dma.local @!p0 [hbm:s6], $0xF7A  }
0x23: {  	s9 =	sor.u32 $0xD0000000, s2;
	s6 =	simm.s32 $0x108;
	_ =	swait.ge @!p0 [sflag:s8], $0x0  }
0x24: {  	s3 =	sadd.s32 $0x88, s3;
	s6 =	simm.s32 @!p1 $0x1082;
	[sflag:s4] =	ssyncset.s32 $0xFFFFF086  }
0x25: {  	[simem:s6], [sflag:s4] =	dma.local [hbm:s3], $0xF7A  }
0x26: {  	[smem:$0x3F9E] =	sst s1;
	(tag) =	ssettag s2;
	_ =	strace s9  }
0x27: {  	s1 =	sld [smem:$0x3FAE]  }
0x28: {  	s2 =	sld [smem:$0x3FAF]  }
0x29: {  	s4 =	sld [smem:$0x3FB1]  }
0x2a: {  	p0 =	seq.s32 s5, $0x0;
	s5 =	sld [smem:$0x3FB2]  }
0x2b: {  	s6 =	sld [smem:$0x3FB3]  }
0x2c: {  	s7 =	sld [smem:$0x3FB4]  }
0x2d: {  	s3 =	simm.s32 $0x108;
	s8 =	sld [smem:$0x3FB5]  }
0x2e: {  	s3 =	simm.s32 @!p0 $0x1082;
	s9 =	sld [smem:$0x3FB6]  }
0x2f: {  	lr =	sadd.s32 s0, s3;
	s0 =	sld [smem:$0x3FAD]  }
0x30: {  	s3 =	sld [smem:$0x3FB0]  }
0x31: {  	[smem:$0x3FB9] =	sst s10  }
0x32: {  	s10 =	sld [smem:$0x3FB7];
	_ =	sdelay $0x3  }
0x33: {  	p0 =	seq.s32 s10, $0x1;
	s10 =	sld [smem:$0x3FB9];
	_ =	sdelay $0x3  }
0x34: {  	[smem:$0x3FB9] =	sst s10  }
0x35: {  	s10 =	sld [smem:$0x3FB8];
	_ =	sdelay $0x3  }
0x36: {  	p1 =	seq.s32 s10, $0x1;
	s10 =	sld [smem:$0x3FB9];
	_ =	sdelay $0x3  }
0x37: {  	[smem:$0x3FB9] =	sst s10  }
0x38: {  	s10 =	sld [smem:$0x3FBA]  }
0x39: {  	_ = 	snop;
	(pc) =	sbr.ind lr, $3  }
0x3a: {  	_ = 	snop  }
0x3b: {  	_ = 	snop  }
0x3c: {  	p2 =	seq.s32 s10, $0x1;
	s10 =	sld [smem:$0x3FB9]  }
0x3d: {  	_ =	shalt  }
0x3e: {  	_ =	shalt  }
0x3f: {  	_ =	shalt  }
0x40: {  	_ =	shalt  }
0x41: {  	_ =	shalt  }
0x42: {  	_ =	shalt  }
0x43: {  	_ =	shalt  }
0x44: {  	_ =	shalt  }
0x45: {  	_ =	shalt  }
0x46: {  	_ =	shalt  }
0x47: {  	_ =	shalt  }
0x48: {  	_ =	shalt  }
0x49: {  	_ =	shalt  }
0x4a: {  	_ =	shalt  }
0x4b: {  	_ =	shalt  }
0x4c: {  	_ =	shalt  }
0x4d: {  	_ =	shalt  }
0x4e: {  	_ =	shalt  }
0x4f: {  	_ =	shalt  }
0x50: {  	_ =	shalt  }
0x51: {  	_ =	shalt  }
0x52: {  	_ =	shalt  }
0x53: {  	_ =	shalt  }
0x54: {  	_ =	shalt  }
0x55: {  	_ =	shalt  }
0x56: {  	_ =	shalt  }
0x57: {  	_ =	shalt  }
0x58: {  	_ =	shalt  }
0x59: {  	_ =	shalt  }
0x5a: {  	_ =	shalt  }
0x5b: {  	_ =	shalt  }
0x5c: {  	_ =	shalt  }
0x5d: {  	_ =	shalt  }
0x5e: {  	_ =	shalt  }
0x5f: {  	_ =	shalt  }
0x60: {  	_ =	shalt  }
0x61: {  	_ =	shalt  }
0x62: {  	_ =	shalt  }
0x63: {  	_ =	shalt  }
0x64: {  	_ =	shalt  }
0x65: {  	_ =	shalt  }
0x66: {  	_ =	shalt  }
0x67: {  	_ =	shalt  }
0x68: {  	_ =	shalt  }
0x69: {  	_ =	shalt  }
0x6a: {  	_ =	shalt  }
0x6b: {  	_ =	shalt  }
0x6c: {  	_ =	shalt  }
0x6d: {  	_ =	shalt  }
0x6e: {  	_ =	shalt  }
0x6f: {  	_ =	shalt  }
0x70: {  	_ =	shalt  }
0x71: {  	_ =	shalt  }
0x72: {  	_ =	shalt  }
0x73: {  	_ =	shalt  }
0x74: {  	_ =	shalt  }
0x75: {  	_ =	shalt  }
0x76: {  	_ =	shalt  }
0x77: {  	_ =	shalt  }
0x78: {  	_ =	shalt  }
0x79: {  	_ =	shalt  }
0x7a: {  	_ =	shalt  }
0x7b: {  	_ =	shalt  }
0x7c: {  	_ =	shalt  }
0x7d: {  	_ =	shalt  }
0x7e: {  	_ =	shalt  }
0x7f: {  	_ =	shalt  }
0x80: {  	_ =	shalt  }
0x81: {  	_ =	shalt  }
0x82: {  	_ =	shalt  }
0x83: {  	_ =	shalt  }
0x84: {  	_ =	shalt  }
0x85: {  	_ =	shalt  }
0x86: {  	_ =	shalt  }
0x87: {  	_ =	shalt  }
.Lfunc_end0:
.L_simem_size_0:
called_computation.1_lowered:
.L_overlay_start_0:
0x88: {  	s2 =	sld [smem:$0x3FD9]  }
0x89: {  	s3 =	sld [smem:$0x3FFE];
	_ =	sdelay $0x1  }
0x8a: {  	s1 =	srdreg.scid  }
0x8b: {  	s0 =	sand.u32 $0x1, s1  }
0x8c: {  	s17 =	sshll.u32 s0, $0xA;
	s2 =	sadd.s32 s3, s2  }
0x8d: {  	s2 =	sadd.s32 s2, s17  }
0x8e: {  	[smem:$0x3FC5] =	sst s2  }
0x8f: {  	_ = 	snop  }
0x90: {  	s2 =	sld [smem:$0x3FC9]  }
0x91: {  	s18 =	sld [smem:$0x3FD0];
	(tm) =	ssettm $0x1  }
0x92: {  	s4 =	sld [smem:$0x3FFB];
	_ =	sdelay $0x3  }
0x93: {  	_ =	strace s4  }
0x94: {  	s4 =	sld [smem:$0x3FFC];
	_ =	sdelay $0x3  }
0x95: {  	_ =	strace s4  }
0x96: {  	s4 =	sld [smem:$0x3FFD];
	_ =	sdelay $0x3  }
0x97: {  	_ =	strace s4  }
0x98: {  	_ =	strace $0x8FFFFFFF  }
0x99: {  	s19 =	sld [smem:$0x3FDB];
	_ =	sdelay $0x1  }
0x9a: {  	s5 =	simm.s32 $_scs_section_size  }
0x9b: {  	s6 =	simm.s32 $_size__tile_overlayer_lowered;
	s7 =	simm.s32 $_tile_overlayer_lowered  }
0x9c: {  	s22 =	simm.s32 $0x1BFF;
	s21 =	sshll.u32 s7, $0x1;
	s4 =	sadd.s32 s5, s19  }
0x9d: {  	s8 =	simm.s32 $0x0;
	s20 =	sshll.u32 s6, $0x1;
	s6 =	sadd.s32 s21, s4  }
0x9e: {  	[timem:s8], [sflag:s22] =	dma.local [hbm:s6], s20  }
0x9f: {  	_ =	swait.ge [sflag:s22], s20  }
0xa0: {  	s5 =	ssub.s32 $0x0, s20;
	[sflag:s22] =	ssyncset.done $0x0  }
0xa1: {  	[sflag:s22] =	ssyncadd.s32 s5;
	_ =	sdelay $0x1  }
0xa2: {  	s23 =	simm.s32 $0x1B8B  }
0xa3: {  	_ =	swait.ge [sflag:s23], $0x1  }
0xa4: {  	[sflag:s23] =	ssyncset.done $0x0  }
0xa5: {  	s25 =	simm.s32 $0x1B8E;
	s24 =	sld [smem:$0x3FFE];
	[sflag:s23] =	ssyncadd.s32 $0xFFFFFFFF  }
0xa6: {  	s26 =	simm.s32 $execute0_lowered;
	[smem:$0x3FD2] =	sst s25  }
0xa7: {  	s6 =	sshll.u32 s26, $0x1;
	_ =	strace $0x80000046;
	[dreg:$0x1] =	wrdreg $0xFFFFFFFF  }
0xa8: {  	s28 =	simm.s32 $_size_execute0_lowered;
	s4 =	sadd.s32 s4, s6;
	[dreg:$0x0] =	wrdreg $0x0  }
0xa9: {  	s6 =	sshll.u32 s28, $0x1;
	[dreg:$0x2] =	wrdreg s4  }
0xaa: {  	[dreg:$0x3] =	wrdreg s6  }
0xab: {  	[dreg:$0x4] =	wrdreg $0xC0  }
0xac: {  	_ =	task [dreg:s8], $0x5FFFF  }
0xad: {  	[dreg:$0x1] =	wrdreg $0xFFFFFFFF  }
0xae: {  	[dreg:$0x0] =	wrdreg $0x60  }
0xaf: {  	[dreg:$0x2] =	wrdreg s2  }
0xb0: {  	[dreg:$0x3] =	wrdreg s24  }
0xb1: {  	[dreg:$0x4] =	wrdreg s18  }
0xb2: {  	[dreg:$0x5] =	wrdreg $0x9  }
0xb3: {  	_ =	task.clear_ibuf [dreg:s8], $0x6FFFF;
	_ =	strace $0x90000046  }
0xb4: {  	s29 =	simm.s32 $0x9;
	_ =	strace $0x80000048  }
0xb5: {  	_ =	swait.ge [sflag:s29], $0x1  }
0xb6: {  	[sflag:s29] =	ssyncadd.s32 $0xFFFFFFFF  }
0xb7: {  	_ =	strace $0x90000048  }
0xb8: {  	_ =	sfence  }
0xb9: {  	s30 =	sld [smem:$0x0];
	_ =	sdelay $0x2  }
0xba: {  	s31 =	sshll.u32 s1, $0xD;
	s1 =	sshrl.u32 s1, $0x2  }
0xbb: {  	s3 =	sand.u32 $0x4000, s31;
	s1 =	sadd.s32 s1, s30  }
0xbc: {  	s0 =	sor.u32 s3, s0;
	s1 =	sshll.u32 s1, $0x11  }
0xbd: {  	s0 =	sor.u32 s1, s0  }
0xbe: {  	s0 =	sadd.s32 $0x8F2B, s0  }
0xbf: {  	[sflag:s0] =	ssyncadd.remote.s32 $0x1  }
0xc0: {  	_ =	sfence.sel $0xFFFF  }
0xc1: {  	[dreg:$0x0] =	wrdreg $0xFFFFFFFF;
	(pc) =	sbr.abs _section_cstart, $3  }
0xc2: {  	[dreg:$0x1] =	wrdreg $0xFFFFFFFF  }
0xc3: {  	_ =	task.clear_ibuf [dreg:s8], $0x2FFFF;
	_ =	strace $0x9FFFFFFF  }
0xc4: {  	(tm) =	ssettm $0x7FFFFFFF  }
0xc5: {  	_ =	shalt  }
tec
execute0_lowered:
.L_overlay_start_1:
0x0: {  	(tag) =	ssettag $0x1  }
0x1: {  	s1 =	rddreg [dreg:$0x0]  }
0x2: {  	s0 =	rddreg [dreg:$0x1]  }
0x3: {  	s3 =	rddreg [dreg:$0x2];
	s5 =	srdreg.scid  }
0x4: {  	s2 =	stileid.u32;
	s4 =	simm.s32 $0x0;
	s12 =	simm.s32 $0xCB20  }
0x5: {  	s13 =	simm.s32 $0x5;
	s14 =	simm.s32 $0x190;
	s15 =	simm.s32 $0x320  }
0x6: {  	s16 =	simm.s32 $0x6720;
	s17 =	simm.s32 $0x1;
	s18 =	simm.s32 $0x3520  }
0x7: {  	s19 =	simm.s32 $0x2;
	s20 =	simm.s32 $0x4;
	s21 =	simm.s32 $0x9920  }
0x8: {  	s22 =	simm.s32 $0x3;
	s5 =	sand.u32 $0x1, s5;
	s6 =	sshll.u32 s2, $0x1  }
0x9: {  	s23 =	simm.s32 $0x0;
	[smem:$0x7FF] =	sst s4;
	s7 =	sor.u32 s5, s6  }
0xa: {  	_ =	strace $0x80000047;
	s8 =	ssub.s32 $0x2, s5;
	s5 =	sadd.s32 $0xA00, s0  }
0xb: {  	s9 =	smul.u32 $0xC80, s7;
	s31 =	sshrl.u32 s8, $0x1;
	s7 =	sshll.u32 s7, $0x7  }
0xc: {  	s6 =	sadd.s32 $0xF42E00, s0;
	s0 =	ssub.s32 s8, s31;
	s10 =	sor.u32 $0x4, s7  }
0xd: {  	s8 =	sadd.s32 s1, s9;
	s9 =	sor.u32 $0x2, s7;
	s11 =	smax.u32 s0, $0x1  }
.LBB2_1:
0xe: {  	[tilespmem:s12], [sflag:$0x5] =	stream.linear.gather [hbm4b:s5+s4], $0x6400, $0x38;
	[tilespmem:$0x12F20] =	vst v63  }
0xf: {  	_ =	swait.ge [sflag:s13], $0x6400  }
0x10: {  	[sflag:s13] =	ssyncset.done $0x0  }
0x11: {  	[sflag:s13] =	ssyncadd.s32 $0xFFFF9C00  }
0x12: {  	[tilespmem:s4], [sflag:$0x5] =	stream.linear.gather [hbm4b:s8+s4], $0x190, $0x38;
	[tilespmem:$0x12F20] =	vst v63  }
0x13: {  	_ =	swait.ge [sflag:s13], $0x190  }
0x14: {  	[sflag:s13] =	ssyncset.done $0x0  }
0x15: {  	s24 =	simm.s32 $0x0;
	[sflag:s13] =	ssyncadd.s32 $0xFFFFFE70  }
0x16: {  	[tilespmem:s15], [sflag:$0x1] =	stream.indirect.gather [hbm4b:s6+s14], $0x40, s4, s14, $0xb8;
	[tilespmem:$0x12F20] =	vst v63  }
.LBB2_2:
0x17: {  	s26 =	sshll.u32 s24, $0x2  }
0x18: {  	s25 =	sadd.s32 s9, s26  }
0x19: {  	s0 =	smul.u32 $0x19, s25;
	_ =	sdelay $0x1  }
0x1a: {  	s0 =	sadd.s32 s1, s0  }
0x1b: {  	[tilespmem:s14], [sflag:$0x5] =	stream.linear.gather [hbm4b:s0+s4], $0x190, $0x38;
	[tilespmem:$0x12F20] =	vst v63  }
0x1c: {  	_ =	swait.ge [sflag:s13], $0x190  }
0x1d: {  	[sflag:s13] =	ssyncset.done $0x0  }
0x1e: {  	[sflag:s13] =	ssyncadd.s32 $0xFFFFFE70  }
0x1f: {  	[tilespmem:s16], [sflag:$0x2] =	stream.indirect.gather [hbm4b:s6+s14], $0x40, s14, s14, $0xb8;
	[tilespmem:$0x12F20] =	vst v63  }
0x20: {  	_ =	swait.ge [sflag:s17], $0x6400  }
0x21: {  	p0 =	seq.s32 s24, $0x0;
	[sflag:s17] =	ssyncset.done $0x0  }
0x22: {  	s0 =	simm.s32 @!p0 $0x3;
	[sflag:s17] =	ssyncadd.s32 $0xFFFF9C00  }
0x23: {  	_ =	swait.ge @!p0 [sflag:s0], $0x3200  }
0x24: {  	[sflag:s0] =	ssyncset.done @!p0 $0x0  }
0x25: {  	[sflag:s0] =	ssyncadd.s32 @!p0 $0xFFFFCE00  }
0x26: {  	_ =	swait.ge @!p0 [sflag:s0], $0x3200  }
0x27: {  	[sflag:s0] =	ssyncset.done @!p0 $0x0  }
0x28: {  	s28 =	simm.s32 $0x520;
	[sflag:s0] =	ssyncadd.s32 @!p0 $0xFFFFCE00  }
0x29: {  	s29 =	simm.s32 $0xCD20;
	v0 =	vld [tilespmem:s28+$0x1C0]  }
0x2a: {  	v1 =	vld [tilespmem:s29+$0x1C0]  }
0x2b: {  	v2 =	vld [tilespmem:s29+$0xFFFFFE00]  }
0x2c: {  	v3 =	vld [tilespmem:s28+$0xFFFFFE40]  }
0x2d: {  	v4 =	vld [tilespmem:s29+$0xFFFFFE40]  }
0x2e: {  	v5 =	vld [tilespmem:s28+$0xFFFFFE80]  }
0x2f: {  	v6 =	vld [tilespmem:s29+$0xFFFFFE80]  }
0x30: {  	v7 =	vld [tilespmem:s28+$0xFFFFFEC0]  }
0x31: {  	v8 =	vld [tilespmem:s29+$0xFFFFFEC0]  }
0x32: {  	v9 =	vld [tilespmem:s28+$0xFFFFFF00]  }
0x33: {  	v10 =	vld [tilespmem:s29+$0xFFFFFF00]  }
0x34: {  	v11 =	vld [tilespmem:s28+$0xFFFFFF40]  }
0x35: {  	v12 =	vld [tilespmem:s29+$0xFFFFFF40]  }
0x36: {  	v13 =	vld [tilespmem:s28+$0xFFFFFF80]  }
0x37: {  	v14 =	vld [tilespmem:s29+$0xFFFFFF80]  }
0x38: {  	v15 =	vld [tilespmem:s28+$0xFFFFFFC0]  }
0x39: {  	v16 =	vld [tilespmem:s29+$0xFFFFFFC0]  }
0x3a: {  	v17 =	vld [tilespmem:s28+$0x0]  }
0x3b: {  	v18 =	vld [tilespmem:s29+$0x0]  }
0x3c: {  	v19 =	vld [tilespmem:s28+$0x40]  }
0x3d: {  	v20 =	vld [tilespmem:s29+$0x40]  }
0x3e: {  	v21 =	vld [tilespmem:s28+$0x80]  }
0x3f: {  	v22 =	vld [tilespmem:s29+$0x80]  }
0x40: {  	v23 =	vld [tilespmem:s28+$0xC0]  }
0x41: {  	v24 =	vld [tilespmem:s29+$0xC0]  }
0x42: {  	v25 =	vld [tilespmem:s28+$0x100]  }
0x43: {  	v26 =	vld [tilespmem:s29+$0x100]  }
0x44: {  	v27 =	vld [tilespmem:s28+$0x140]  }
0x45: {  	v28 =	vld [tilespmem:s29+$0x140]  }
0x46: {  	v52 =	vld [tilespmem:s28+$0xFFFFFE10]  }
0x47: {  	v53 =	vld [tilespmem:s28+$0xFFFFFE50]  }
0x48: {  	v54 =	vld [tilespmem:s28+$0xFFFFFE90]  }
0x49: {  	v55 =	vld [tilespmem:s28+$0xFFFFFED0]  }
0x4a: {  	v56 =	vld [tilespmem:s28+$0xFFFFFF10]  }
0x4b: {  	v57 =	vld [tilespmem:s28+$0xFFFFFF50]  }
0x4c: {  	v58 =	vld [tilespmem:s28+$0xFFFFFF90]  }
0x4d: {  	v59 =	vld [tilespmem:s28+$0xFFFFFFD0]  }
0x4e: {  	v60 =	vld [tilespmem:s28+$0x10]  }
0x4f: {  	v61 =	vld [tilespmem:s28+$0x50]  }
0x50: {  	v62 =	vld [tilespmem:s28+$0x90]  }
0x51: {  	v63 =	vld [tilespmem:s28+$0xD0]  }
0x52: {  	v30 =	vld [tilespmem:s28+$0x110]  }
0x53: {  	v31 =	vld [tilespmem:s28+$0x150]  }
0x54: {  	v32 =	vld [tilespmem:s28+$0x190]  }
0x55: {  	v38 =	vld [tilespmem:s28+$0xFFFFFE20]  }
0x56: {  	v39 =	vld [tilespmem:s28+$0xFFFFFE60]  }
0x57: {  	v40 =	vld [tilespmem:s28+$0xFFFFFEA0]  }
0x58: {  	v41 =	vld [tilespmem:s28+$0xFFFFFEE0]  }
0x59: {  	v42 =	vld [tilespmem:s28+$0xFFFFFF20]  }
0x5a: {  	v43 =	vld [tilespmem:s28+$0xFFFFFF60]  }
0x5b: {  	v0 =	vadd.f32 v1, v0;
	v3 =	vadd.f32 v4, v3;
	v4 =	vld [tilespmem:s28+$0x180]  }
0x5c: {  	v5 =	vadd.f32 v6, v5;
	v6 =	vld [tilespmem:s29+$0x180]  }
0x5d: {  	v44 =	vadd.f32 v20, v19;
	[tilespmem:s28+$0x1C0] =	vst v0;
	v0 =	vld [tilespmem:s28+$0x1D0]  }
0x5e: {  	v46 =	vadd.f32 v24, v23;
	[tilespmem:s28+$0xFFFFFE40] =	vst v3;
	v3 =	vadd.f32 v8, v7;
	v7 =	vld [tilespmem:s28+$0xFFFFFE00]  }
0x5f: {  	v49 =	vadd.f32 v28, v27;
	[tilespmem:s28+$0x40] =	vst v44;
	v44 =	vld [tilespmem:s28+$0xFFFFFFA0]  }
0x60: {  	[tilespmem:s28+$0xC0] =	vst v46;
	v46 =	vld [tilespmem:s28+$0x20]  }
0x61: {  	[tilespmem:s28+$0x140] =	vst v49;
	v49 =	vld [tilespmem:s28+$0xE0]  }
0x62: {  	v1 =	vld [tilespmem:s29+$0x1D0]  }
0x63: {  	[tilespmem:s28+$0xFFFFFE80] =	vst v5;
	v8 =	vld [tilespmem:s29+$0xFFFFFE50]  }
0x64: {  	v5 =	vadd.f32 v10, v9;
	v9 =	vld [tilespmem:s29+$0xFFFFFE90]  }
0x65: {  	v48 =	vld [tilespmem:s29+$0x50];
	[tilespmem:s28+$0xFFFFFEC0] =	vst v3;
	v3 =	vadd.f32 v12, v11  }
0x66: {  	[tilespmem:s28+$0xFFFFFF00] =	vst v5;
	v5 =	vadd.f32 v14, v13;
	v10 =	vld [tilespmem:s29+$0xFFFFFED0]  }
0x67: {  	v11 =	vld [tilespmem:s29+$0xFFFFFF10];
	[tilespmem:s28+$0xFFFFFF40] =	vst v3;
	v3 =	vadd.f32 v16, v15  }
0x68: {  	[tilespmem:s28+$0xFFFFFF80] =	vst v5;
	v2 =	vadd.f32 v2, v7;
	v5 =	vld [tilespmem:s29+$0xFFFFFF50]  }
0x69: {  	v7 =	vld [tilespmem:s29+$0xFFFFFF90];
	v0 =	vadd.f32 v1, v0;
	[tilespmem:s28+$0xFFFFFFC0] =	vst v3  }
0x6a: {  	[tilespmem:s28+$0xFFFFFE00] =	vst v2;
	v2 =	vld [tilespmem:s29+$0xFFFFFFD0]  }
0x6b: {  	v3 =	vadd.f32 v18, v17;
	[tilespmem:s28+$0x1D0] =	vst v0;
	v0 =	vld [tilespmem:s28+$0x1E0]  }
0x6c: {  	v8 =	vadd.f32 v8, v53;
	v45 =	vld [tilespmem:s29+$0xFFFFFE10]  }
0x6d: {  	v9 =	vadd.f32 v9, v54;
	[tilespmem:s28+$0x0] =	vst v3;
	v1 =	vld [tilespmem:s29+$0x1E0]  }
0x6e: {  	[tilespmem:s28+$0xFFFFFE50] =	vst v8;
	v8 =	vadd.f32 v10, v55;
	v47 =	vld [tilespmem:s29+$0x10]  }
0x6f: {  	v3 =	vadd.f32 v22, v21;
	[tilespmem:s28+$0xFFFFFE90] =	vst v9;
	v9 =	vadd.f32 v11, v56;
	v11 =	vld [tilespmem:s29+$0xFFFFFE60]  }
0x70: {  	[tilespmem:s28+$0xFFFFFED0] =	vst v8;
	v8 =	vld [tilespmem:s29+$0xFFFFFEA0]  }
0x71: {  	[tilespmem:s28+$0x80] =	vst v3;
	v7 =	vadd.f32 v7, v58;
	v58 =	vld [tilespmem:s28+$0xFFFFFE70]  }
0x72: {  	v3 =	vadd.f32 v26, v25;
	v50 =	vld [tilespmem:s29+$0x90]  }
0x73: {  	v5 =	vadd.f32 v5, v57;
	[tilespmem:s28+$0xFFFFFF10] =	vst v9;
	v9 =	vld [tilespmem:s29+$0xFFFFFEE0]  }
0x74: {  	[tilespmem:s28+$0x100] =	vst v3;
	v3 =	vadd.f32 v6, v4;
	v4 =	vld [tilespmem:s29+$0xD0]  }
0x75: {  	[tilespmem:s28+$0xFFFFFF50] =	vst v5;
	v5 =	vld [tilespmem:s29+$0xFFFFFF20]  }
0x76: {  	v2 =	vadd.f32 v2, v59;
	v59 =	vld [tilespmem:s28+$0xFFFFFEB0]  }
0x77: {  	v6 =	vld [tilespmem:s29+$0x110]  }
0x78: {  	[tilespmem:s28+$0xFFFFFF90] =	vst v7;
	v33 =	vld [tilespmem:s29+$0xFFFFFF60]  }
0x79: {  	v34 =	vld [tilespmem:s29+$0xFFFFFFA0]  }
0x7a: {  	v13 =	vadd.f32 v45, v52;
	v45 =	vld [tilespmem:s28+$0xFFFFFFE0]  }
0x7b: {  	[tilespmem:s28+$0x180] =	vst v3;
	v3 =	vld [tilespmem:s29+$0x150]  }
0x7c: {  	v7 =	vadd.f32 v47, v60;
	v47 =	vld [tilespmem:s28+$0x60]  }
0x7d: {  	[tilespmem:s28+$0xFFFFFFD0] =	vst v2;
	v2 =	vadd.f32 v48, v61;
	v48 =	vld [tilespmem:s28+$0xA0]  }
0x7e: {  	v60 =	vld [tilespmem:s28+$0xFFFFFEF0]  }
0x7f: {  	v61 =	vld [tilespmem:s28+$0xFFFFFFB0]  }
0x80: {  	v0 =	vadd.f32 v1, v0;
	v51 =	vld [tilespmem:s29+$0x190]  }
0x81: {  	[tilespmem:s28+$0xFFFFFE10] =	vst v13;
	v35 =	vld [tilespmem:s29+$0xFFFFFFE0]  }
0x82: {  	[tilespmem:s28+$0x1E0] =	vst v0;
	v0 =	vld [tilespmem:s28+$0x1F0]  }
0x83: {  	v10 =	vld [tilespmem:s29+$0xFFFFFE20]  }
0x84: {  	[tilespmem:s28+$0x10] =	vst v7;
	v7 =	vadd.f32 v50, v62;
	v50 =	vld [tilespmem:s28+$0x120]  }
0x85: {  	v11 =	vadd.f32 v11, v39;
	v62 =	vld [tilespmem:s28+$0x30]  }
0x86: {  	v8 =	vadd.f32 v8, v40;
	[tilespmem:s28+$0x50] =	vst v2;
	v1 =	vld [tilespmem:s29+$0x1F0]  }
0x87: {  	[tilespmem:s28+$0xFFFFFE60] =	vst v11;
	v2 =	vadd.f32 v4, v63;
	v4 =	vld [tilespmem:s29+$0x20]  }
0x88: {  	[tilespmem:s28+$0xFFFFFEA0] =	vst v8;
	v8 =	vld [tilespmem:s29+$0xFFFFFE70]  }
0x89: {  	v9 =	vadd.f32 v9, v41;
	v63 =	vld [tilespmem:s28+$0x70]  }
0x8a: {  	[tilespmem:s28+$0x90] =	vst v7;
	v7 =	vld [tilespmem:s29+$0x60]  }
0x8b: {  	[tilespmem:s28+$0xFFFFFEE0] =	vst v9;
	v52 =	vld [tilespmem:s29+$0xFFFFFEB0]  }
0x8c: {  	v5 =	vadd.f32 v5, v42;
	[tilespmem:s28+$0xD0] =	vst v2;
	v2 =	vadd.f32 v3, v31;
	v3 =	vld [tilespmem:s29+$0xA0]  }
0x8d: {  	v6 =	vadd.f32 v6, v30;
	v53 =	vld [tilespmem:s29+$0xFFFFFEF0]  }
0x8e: {  	v9 =	vadd.f32 v33, v43;
	[tilespmem:s28+$0xFFFFFF20] =	vst v5;
	v36 =	vld [tilespmem:s29+$0xE0]  }
0x8f: {  	[tilespmem:s28+$0x110] =	vst v6;
	v6 =	vadd.f32 v51, v32;
	v51 =	vld [tilespmem:s28+$0x160]  }
0x90: {  	[tilespmem:s28+$0xFFFFFF60] =	vst v9;
	v54 =	vld [tilespmem:s29+$0xFFFFFF30]  }
0x91: {  	[tilespmem:s28+$0x150] =	vst v2;
	v2 =	vld [tilespmem:s29+$0x120]  }
0x92: {  	v55 =	vld [tilespmem:s29+$0xFFFFFF70]  }
0x93: {  	v10 =	vadd.f32 v10, v38;
	[tilespmem:s28+$0x190] =	vst v6;
	v6 =	vld [tilespmem:s29+$0x160]  }
0x94: {  	v5 =	vadd.f32 v34, v44;
	v37 =	vld [tilespmem:s29+$0x1A0]  }
0x95: {  	v9 =	vadd.f32 v35, v45;
	[tilespmem:s28+$0xFFFFFE20] =	vst v10;
	v10 =	vld [tilespmem:s28+$0x1A0]  }
0x96: {  	[tilespmem:s28+$0xFFFFFFA0] =	vst v5;
	v4 =	vadd.f32 v4, v46;
	v0 =	vadd.f32 v1, v0;
	v1 =	vld [tilespmem:s28+$0xFFFFFF30]  }
0x97: {  	[tilespmem:s28+$0xFFFFFFE0] =	vst v9;
	v5 =	vadd.f32 v7, v47;
	v7 =	vld [tilespmem:s29+$0xFFFFFFB0]  }
0x98: {  	v9 =	vld [tilespmem:s29+$0xFFFFFFF0];
	[tilespmem:s28+$0x20] =	vst v4;
	v2 =	vadd.f32 v2, v50  }
0x99: {  	v11 =	vld [tilespmem:s29+$0xFFFFFE30];
	[tilespmem:s28+$0x1F0] =	vst v0  }
0x9a: {  	v3 =	vadd.f32 v3, v48;
	[tilespmem:s28+$0x120] =	vst v2;
	v2 =	vadd.f32 v37, v10;
	v10 =	vld [tilespmem:s28+$0xFFFFFE30]  }
0x9b: {  	v0 =	vadd.f32 v8, v58;
	v8 =	vadd.f32 v52, v59;
	[tilespmem:s28+$0x60] =	vst v5;
	v56 =	vld [tilespmem:s29+$0x30]  }
0x9c: {  	v4 =	vadd.f32 v36, v49;
	[tilespmem:s28+$0xA0] =	vst v3;
	v57 =	vld [tilespmem:s29+$0x70]  }
0x9d: {  	[tilespmem:s28+$0xFFFFFEB0] =	vst v8;
	v8 =	vld [tilespmem:s28+$0xB0]  }
0x9e: {  	[tilespmem:s28+$0xE0] =	vst v4;
	v3 =	vadd.f32 v6, v51;
	v6 =	vld [tilespmem:s29+$0xB0]  }
0x9f: {  	v5 =	vld [tilespmem:s29+$0xF0];
	v10 =	vadd.f32 v11, v10  }
0xa0: {  	[tilespmem:s28+$0xFFFFFE70] =	vst v0;
	v0 =	vadd.f32 v53, v60;
	v11 =	vld [tilespmem:s28+$0xFFFFFF70]  }
0xa1: {  	[tilespmem:s28+$0xFFFFFE30] =	vst v10;
	v10 =	vld [tilespmem:s28+$0xFFFFFFF0]  }
0xa2: {  	v1 =	vadd.f32 v54, v1;
	[tilespmem:s28+$0xFFFFFEF0] =	vst v0;
	v0 =	vld [tilespmem:s28+$0xF0]  }
0xa3: {  	[tilespmem:s28+$0x160] =	vst v3;
	v4 =	vld [tilespmem:s29+$0x130]  }
0xa4: {  	v7 =	vadd.f32 v7, v61;
	[tilespmem:s28+$0xFFFFFF30] =	vst v1;
	v1 =	vld [tilespmem:s28+$0x130]  }
0xa5: {  	[tilespmem:s28+$0x1A0] =	vst v2;
	v3 =	vld [tilespmem:s29+$0x170];
	v11 =	vadd.f32 v55, v11  }
0xa6: {  	[tilespmem:s28+$0xFFFFFFB0] =	vst v7;
	v7 =	vld [tilespmem:s28+$0x170];
	v9 =	vadd.f32 v9, v10  }
0xa7: {  	v2 =	vld [tilespmem:s29+$0x1B0];
	[tilespmem:s28+$0xFFFFFF70] =	vst v11;
	v11 =	vadd.f32 v56, v62  }
0xa8: {  	s31 =	simm.s32 $0x0;
	s30 =	sor.u32 s7, s26;
	s0 =	simm.s32 $0x920;
	v10 =	vadd.f32 v57, v63;
	[tilespmem:s28+$0xFFFFFFF0] =	vst v9;
	v9 =	vld [tilespmem:s28+$0x1B0]  }
.LBB2_3:
0xa9: {  	v12 =	vld [tilespmem:s0+$0x1C0];
	[tilespmem:s28+$0x30] =	vst v11;
	v6 =	vadd.f32 v6, v8;
	s29 =	sadd.s32 $0x400, s29  }
0xaa: {  	s31 =	sadd.s32 $0x10, s31;
	v8 =	vld [tilespmem:s29+$0x1C0];
	[tilespmem:s28+$0x70] =	vst v10;
	v0 =	vadd.f32 v5, v0  }
0xab: {  	p1 =	slt.u32 s31, $0x180;
	v5 =	vld [tilespmem:s29+$0xFFFFFE00];
	[tilespmem:s28+$0xB0] =	vst v6;
	v1 =	vadd.f32 v4, v1  }
0xac: {  	v4 =	vld [tilespmem:s0+$0xFFFFFE40];
	[tilespmem:s28+$0xF0] =	vst v0;
	v0 =	vadd.f32 v3, v7  }
0xad: {  	v3 =	vld [tilespmem:s29+$0xFFFFFE40];
	[tilespmem:s28+$0x130] =	vst v1;
	v1 =	vadd.f32 v2, v9  }
0xae: {  	v2 =	vld [tilespmem:s0+$0xFFFFFE80];
	[tilespmem:s28+$0x170] =	vst v0  }
0xaf: {  	v0 =	vld [tilespmem:s29+$0xFFFFFE80];
	v6 =	vadd.f32 v8, v12;
	[tilespmem:s28+$0x1B0] =	vst v1;
	s28 =	smov.u32 s0  }
0xb0: {  	v1 =	vld [tilespmem:s0+$0xFFFFFEC0]  }
0xb1: {  	[tilespmem:s0+$0x1C0] =	vst v6;
	v6 =	vld [tilespmem:s0+$0x1D0]  }
0xb2: {  	v3 =	vadd.f32 v3, v4;
	v4 =	vld [tilespmem:s29+$0x1D0]  }
0xb3: {  	v7 =	vld [tilespmem:s29+$0xFFFFFEC0]  }
0xb4: {  	[tilespmem:s0+$0xFFFFFE40] =	vst v3;
	v0 =	vadd.f32 v0, v2;
	v2 =	vld [tilespmem:s0+$0xFFFFFF00]  }
0xb5: {  	v3 =	vld [tilespmem:s29+$0xFFFFFF00]  }
0xb6: {  	[tilespmem:s0+$0xFFFFFE80] =	vst v0;
	v0 =	vld [tilespmem:s0+$0xFFFFFF40]  }
0xb7: {  	v8 =	vld [tilespmem:s29+$0xFFFFFF40];
	v4 =	vadd.f32 v4, v6  }
0xb8: {  	v1 =	vadd.f32 v7, v1;
	v6 =	vld [tilespmem:s0+$0xFFFFFF80]  }
0xb9: {  	[tilespmem:s0+$0x1D0] =	vst v4;
	v4 =	vld [tilespmem:s0+$0x1E0]  }
0xba: {  	[tilespmem:s0+$0xFFFFFEC0] =	vst v1;
	v1 =	vadd.f32 v3, v2;
	v2 =	vld [tilespmem:s29+$0x1E0]  }
0xbb: {  	v3 =	vld [tilespmem:s29+$0xFFFFFF80]  }
0xbc: {  	[tilespmem:s0+$0xFFFFFF00] =	vst v1;
	v0 =	vadd.f32 v8, v0;
	v1 =	vld [tilespmem:s0+$0xFFFFFFC0]  }
0xbd: {  	v7 =	vld [tilespmem:s29+$0xFFFFFFC0]  }
0xbe: {  	[tilespmem:s0+$0xFFFFFF40] =	vst v0;
	v0 =	vld [tilespmem:s0+$0x0]  }
0xbf: {  	v8 =	vld [tilespmem:s29+$0x0];
	v2 =	vadd.f32 v2, v4  }
0xc0: {  	v3 =	vadd.f32 v3, v6;
	v4 =	vld [tilespmem:s0+$0x40]  }
0xc1: {  	[tilespmem:s0+$0x1E0] =	vst v2;
	v2 =	vld [tilespmem:s0+$0x1F0]  }
0xc2: {  	[tilespmem:s0+$0xFFFFFF80] =	vst v3;
	v1 =	vadd.f32 v7, v1;
	v3 =	vld [tilespmem:s29+$0x1F0]  }
0xc3: {  	v6 =	vld [tilespmem:s29+$0x40]  }
0xc4: {  	[tilespmem:s0+$0xFFFFFFC0] =	vst v1;
	v0 =	vadd.f32 v8, v0;
	v1 =	vld [tilespmem:s0+$0x80]  }
0xc5: {  	v7 =	vld [tilespmem:s29+$0x80]  }
0xc6: {  	[tilespmem:s0+$0x0] =	vst v0;
	v0 =	vld [tilespmem:s0+$0xC0]  }
0xc7: {  	v8 =	vld [tilespmem:s29+$0xC0];
	v2 =	vadd.f32 v3, v2  }
0xc8: {  	v3 =	vadd.f32 v6, v4;
	v4 =	vld [tilespmem:s0+$0x100]  }
0xc9: {  	v6 =	vld [tilespmem:s29+$0x100];
	[tilespmem:s0+$0x1F0] =	vst v2  }
0xca: {  	[tilespmem:s0+$0x40] =	vst v3;
	v1 =	vadd.f32 v7, v1;
	v2 =	vld [tilespmem:s0+$0x140]  }
0xcb: {  	v3 =	vld [tilespmem:s29+$0x140]  }
0xcc: {  	[tilespmem:s0+$0x80] =	vst v1;
	v0 =	vadd.f32 v8, v0;
	v1 =	vld [tilespmem:s0+$0x180]  }
0xcd: {  	v7 =	vld [tilespmem:s29+$0x180]  }
0xce: {  	v8 =	vld [tilespmem:s0+$0xFFFFFE00];
	[tilespmem:s0+$0xC0] =	vst v0;
	v0 =	vadd.f32 v6, v4  }
0xcf: {  	v4 =	vld [tilespmem:s29+$0xFFFFFE50]  }
0xd0: {  	v6 =	vld [tilespmem:s29+$0xFFFFFE90];
	[tilespmem:s0+$0x100] =	vst v0;
	v0 =	vadd.f32 v3, v2  }
0xd1: {  	v2 =	vld [tilespmem:s29+$0xFFFFFED0]  }
0xd2: {  	v3 =	vld [tilespmem:s29+$0xFFFFFF10];
	[tilespmem:s0+$0x140] =	vst v0;
	v0 =	vadd.f32 v7, v1  }
0xd3: {  	v1 =	vadd.f32 v5, v8;
	v5 =	vld [tilespmem:s29+$0xFFFFFF50]  }
0xd4: {  	v7 =	vld [tilespmem:s29+$0xFFFFFF90];
	[tilespmem:s0+$0x180] =	vst v0  }
0xd5: {  	[tilespmem:s0+$0xFFFFFE00] =	vst v1;
	v0 =	vld [tilespmem:s29+$0xFFFFFFD0]  }
0xd6: {  	v1 =	vld [tilespmem:s29+$0xFFFFFE10]  }
0xd7: {  	v8 =	vld [tilespmem:s29+$0x10]  }
0xd8: {  	v9 =	vld [tilespmem:s29+$0x50]  }
0xd9: {  	v10 =	vld [tilespmem:s29+$0x90]  }
0xda: {  	v11 =	vld [tilespmem:s29+$0xD0]  }
0xdb: {  	v12 =	vld [tilespmem:s29+$0x110]  }
0xdc: {  	v13 =	vld [tilespmem:s29+$0x150]  }
0xdd: {  	v14 =	vld [tilespmem:s29+$0x190]  }
0xde: {  	v15 =	vld [tilespmem:s0+$0xFFFFFE10]  }
0xdf: {  	v16 =	vld [tilespmem:s0+$0xFFFFFE50]  }
0xe0: {  	v17 =	vld [tilespmem:s0+$0xFFFFFE90]  }
0xe1: {  	v18 =	vld [tilespmem:s0+$0xFFFFFED0]  }
0xe2: {  	v19 =	vld [tilespmem:s0+$0xFFFFFF10]  }
0xe3: {  	v1 =	vadd.f32 v1, v15;
	v15 =	vld [tilespmem:s0+$0xFFFFFF50]  }
0xe4: {  	v4 =	vadd.f32 v4, v16;
	v16 =	vld [tilespmem:s0+$0xFFFFFF90]  }
0xe5: {  	[tilespmem:s0+$0xFFFFFE10] =	vst v1;
	v1 =	vadd.f32 v6, v17;
	v6 =	vld [tilespmem:s0+$0xFFFFFFD0]  }
0xe6: {  	[tilespmem:s0+$0xFFFFFE50] =	vst v4;
	v2 =	vadd.f32 v2, v18;
	v4 =	vld [tilespmem:s0+$0x10]  }
0xe7: {  	[tilespmem:s0+$0xFFFFFE90] =	vst v1;
	v1 =	vadd.f32 v3, v19;
	v3 =	vld [tilespmem:s0+$0x50]  }
0xe8: {  	[tilespmem:s0+$0xFFFFFED0] =	vst v2;
	v2 =	vadd.f32 v5, v15;
	v5 =	vld [tilespmem:s0+$0x90]  }
0xe9: {  	[tilespmem:s0+$0xFFFFFF10] =	vst v1;
	v1 =	vadd.f32 v7, v16;
	v7 =	vld [tilespmem:s0+$0xD0]  }
0xea: {  	[tilespmem:s0+$0xFFFFFF50] =	vst v2;
	v0 =	vadd.f32 v0, v6;
	v2 =	vld [tilespmem:s0+$0x110]  }
0xeb: {  	[tilespmem:s0+$0xFFFFFF90] =	vst v1;
	v1 =	vadd.f32 v8, v4;
	v4 =	vld [tilespmem:s0+$0x150]  }
0xec: {  	[tilespmem:s0+$0xFFFFFFD0] =	vst v0;
	v0 =	vadd.f32 v9, v3;
	v3 =	vld [tilespmem:s0+$0x190]  }
0xed: {  	v6 =	vld [tilespmem:s29+$0xFFFFFE20];
	[tilespmem:s0+$0x10] =	vst v1;
	v1 =	vadd.f32 v10, v5  }
0xee: {  	v5 =	vld [tilespmem:s29+$0xFFFFFE60];
	[tilespmem:s0+$0x50] =	vst v0;
	v0 =	vadd.f32 v11, v7  }
0xef: {  	v7 =	vld [tilespmem:s29+$0xFFFFFEA0];
	[tilespmem:s0+$0x90] =	vst v1;
	v1 =	vadd.f32 v12, v2  }
0xf0: {  	v2 =	vld [tilespmem:s29+$0xFFFFFEE0];
	[tilespmem:s0+$0xD0] =	vst v0;
	v0 =	vadd.f32 v13, v4  }
0xf1: {  	v4 =	vld [tilespmem:s29+$0xFFFFFF20];
	[tilespmem:s0+$0x110] =	vst v1;
	v1 =	vadd.f32 v14, v3  }
0xf2: {  	v3 =	vld [tilespmem:s29+$0xFFFFFF60];
	[tilespmem:s0+$0x150] =	vst v0  }
0xf3: {  	v0 =	vld [tilespmem:s29+$0xFFFFFFA0];
	[tilespmem:s0+$0x190] =	vst v1  }
0xf4: {  	v1 =	vld [tilespmem:s29+$0xFFFFFFE0]  }
0xf5: {  	v8 =	vld [tilespmem:s29+$0x20]  }
0xf6: {  	v9 =	vld [tilespmem:s29+$0x60]  }
0xf7: {  	v10 =	vld [tilespmem:s29+$0xA0]  }
0xf8: {  	v11 =	vld [tilespmem:s29+$0xE0]  }
0xf9: {  	v12 =	vld [tilespmem:s29+$0x120]  }
0xfa: {  	v13 =	vld [tilespmem:s29+$0x160]  }
0xfb: {  	v14 =	vld [tilespmem:s29+$0x1A0]  }
0xfc: {  	v15 =	vld [tilespmem:s0+$0xFFFFFE20]  }
0xfd: {  	v16 =	vld [tilespmem:s0+$0xFFFFFE60]  }
0xfe: {  	v17 =	vld [tilespmem:s0+$0xFFFFFEA0]  }
0xff: {  	v18 =	vld [tilespmem:s0+$0xFFFFFEE0]  }
0x100: {  	v19 =	vld [tilespmem:s0+$0xFFFFFF20]  }
0x101: {  	v6 =	vadd.f32 v6, v15;
	v15 =	vld [tilespmem:s0+$0xFFFFFF60]  }
0x102: {  	v5 =	vadd.f32 v5, v16;
	v16 =	vld [tilespmem:s0+$0xFFFFFFA0]  }
0x103: {  	[tilespmem:s0+$0xFFFFFE20] =	vst v6;
	v6 =	vadd.f32 v7, v17;
	v7 =	vld [tilespmem:s0+$0xFFFFFFE0]  }
0x104: {  	[tilespmem:s0+$0xFFFFFE60] =	vst v5;
	v2 =	vadd.f32 v2, v18;
	v5 =	vld [tilespmem:s0+$0x20]  }
0x105: {  	[tilespmem:s0+$0xFFFFFEA0] =	vst v6;
	v4 =	vadd.f32 v4, v19;
	v6 =	vld [tilespmem:s0+$0x60]  }
0x106: {  	[tilespmem:s0+$0xFFFFFEE0] =	vst v2;
	v2 =	vadd.f32 v3, v15;
	v3 =	vld [tilespmem:s0+$0xA0]  }
0x107: {  	[tilespmem:s0+$0xFFFFFF20] =	vst v4;
	v0 =	vadd.f32 v0, v16;
	v4 =	vld [tilespmem:s0+$0xE0]  }
0x108: {  	[tilespmem:s0+$0xFFFFFF60] =	vst v2;
	v1 =	vadd.f32 v1, v7;
	v2 =	vld [tilespmem:s0+$0x120]  }
0x109: {  	[tilespmem:s0+$0xFFFFFFA0] =	vst v0;
	v0 =	vadd.f32 v8, v5;
	v5 =	vld [tilespmem:s0+$0x160]  }
0x10a: {  	[tilespmem:s0+$0xFFFFFFE0] =	vst v1;
	v1 =	vadd.f32 v9, v6;
	v6 =	vld [tilespmem:s0+$0x1A0]  }
0x10b: {  	v7 =	vld [tilespmem:s29+$0xFFFFFE30];
	[tilespmem:s0+$0x20] =	vst v0;
	v0 =	vadd.f32 v10, v3  }
0x10c: {  	v8 =	vld [tilespmem:s29+$0xFFFFFE70];
	[tilespmem:s0+$0x60] =	vst v1;
	v1 =	vadd.f32 v11, v4  }
0x10d: {  	v9 =	vld [tilespmem:s29+$0xFFFFFEB0];
	[tilespmem:s0+$0xA0] =	vst v0;
	v0 =	vadd.f32 v12, v2  }
0x10e: {  	v10 =	vld [tilespmem:s29+$0xFFFFFEF0];
	[tilespmem:s0+$0xE0] =	vst v1;
	v1 =	vadd.f32 v13, v5  }
0x10f: {  	v11 =	vld [tilespmem:s29+$0xFFFFFF30];
	[tilespmem:s0+$0x120] =	vst v0;
	v0 =	vadd.f32 v14, v6  }
0x110: {  	v12 =	vld [tilespmem:s29+$0xFFFFFF70];
	[tilespmem:s0+$0x160] =	vst v1  }
0x111: {  	v1 =	vld [tilespmem:s29+$0xFFFFFFB0];
	[tilespmem:s0+$0x1A0] =	vst v0  }
0x112: {  	v13 =	vld [tilespmem:s29+$0xFFFFFFF0]  }
0x113: {  	v14 =	vld [tilespmem:s29+$0x30]  }
0x114: {  	v15 =	vld [tilespmem:s29+$0x70]  }
0x115: {  	v6 =	vld [tilespmem:s29+$0xB0]  }
0x116: {  	v5 =	vld [tilespmem:s29+$0xF0]  }
0x117: {  	v4 =	vld [tilespmem:s29+$0x130]  }
0x118: {  	v3 =	vld [tilespmem:s29+$0x170]  }
0x119: {  	v2 =	vld [tilespmem:s29+$0x1B0]  }
0x11a: {  	v0 =	vld [tilespmem:s0+$0xFFFFFE30]  }
0x11b: {  	v16 =	vld [tilespmem:s0+$0xFFFFFE70]  }
0x11c: {  	v17 =	vld [tilespmem:s0+$0xFFFFFEB0]  }
0x11d: {  	v18 =	vld [tilespmem:s0+$0xFFFFFEF0]  }
0x11e: {  	v19 =	vld [tilespmem:s0+$0xFFFFFF30]  }
0x11f: {  	v0 =	vadd.f32 v7, v0;
	v7 =	vld [tilespmem:s0+$0xFFFFFF70]  }
0x120: {  	v8 =	vadd.f32 v8, v16;
	v16 =	vld [tilespmem:s0+$0xFFFFFFB0]  }
0x121: {  	[tilespmem:s0+$0xFFFFFE30] =	vst v0;
	v0 =	vadd.f32 v9, v17;
	v9 =	vld [tilespmem:s0+$0xFFFFFFF0]  }
0x122: {  	[tilespmem:s0+$0xFFFFFE70] =	vst v8;
	v8 =	vadd.f32 v10, v18;
	v10 =	vld [tilespmem:s0+$0x30]  }
0x123: {  	[tilespmem:s0+$0xFFFFFEB0] =	vst v0;
	v0 =	vadd.f32 v11, v19;
	v17 =	vld [tilespmem:s0+$0x70]  }
.Ltmp0:
0x124: {  	[tilespmem:s0+$0xFFFFFEF0] =	vst v8;
	v7 =	vadd.f32 v12, v7;
	v8 =	vld [tilespmem:s0+$0xB0];
	(pc) =	sbr.rel @p1 .LBB2_3-.Ltmp0, $4  }
0x125: {  	[tilespmem:s0+$0xFFFFFF30] =	vst v0;
	v11 =	vadd.f32 v1, v16;
	v0 =	vld [tilespmem:s0+$0xF0]  }
0x126: {  	[tilespmem:s0+$0xFFFFFF70] =	vst v7;
	v9 =	vadd.f32 v13, v9;
	v1 =	vld [tilespmem:s0+$0x130]  }
0x127: {  	[tilespmem:s0+$0xFFFFFFB0] =	vst v11;
	v11 =	vadd.f32 v14, v10;
	v7 =	vld [tilespmem:s0+$0x170]  }
0x128: {  	s0 =	sadd.s32 $0x400, s0;
	[tilespmem:s28+$0xFFFFFFF0] =	vst v9;
	v10 =	vadd.f32 v15, v17;
	v9 =	vld [tilespmem:s28+$0x1B0]  }
0x129: {  	[tilespmem:s28+$0x30] =	vst v11;
	v6 =	vadd.f32 v6, v8  }
0x12a: {  	[tilespmem:s28+$0x70] =	vst v10;
	v0 =	vadd.f32 v5, v0  }
0x12b: {  	[tilespmem:s28+$0xB0] =	vst v6;
	v1 =	vadd.f32 v4, v1  }
0x12c: {  	s0 =	smul.u32 $0x640, s30;
	[tilespmem:s28+$0xF0] =	vst v0;
	v62 =	vadd.f32 v3, v7  }
0x12d: {  	s30 =	smul.u32 $0x3200, s30;
	[tilespmem:s28+$0x130] =	vst v1;
	v63 =	vadd.f32 v2, v9  }
0x12e: {  	p1 =	sne.s32 s24, $0x1F;
	[tilespmem:s28+$0x170] =	vst v62  }
.Ltmp1:
0x12f: {  	s0 =	sadd.s32 s3, s0;
	s31 =	sshrl.u32 s30, $0x3;
	[tilespmem:s28+$0x1B0] =	vst v63;
	(pc) =	sbr.rel @p1 .LBB2_6-.Ltmp1, $4  }
0x130: {  	[hbm4b:s0+s4] =	stream.linear.scatter [tilespmem:s15], [sflag:$0x3], $0x3200, $0x38;
	[tilespmem:$0x12F20] =	vst v63  }
0x131: {  	s0 =	sadd.s32 s3, s31  }
0x132: {  	s0 =	sadd.s32 $0x640, s0  }
0x133: {  	[hbm4b:s0+s4] =	stream.linear.scatter [tilespmem:s18], [sflag:$0x3], $0x3200, $0x38;
	[tilespmem:$0x12F20] =	vst v63  }
.Ltmp2:
0x134: {  	(pc) =	sbr.rel .LBB2_7-.Ltmp2, $4  }
0x135: {  	_ = 	snop  }
0x136: {  	_ =	swait.ge [sflag:s19], $0x6400  }
0x137: {  	[sflag:s19] =	ssyncset.done $0x0  }
0x138: {  	[sflag:s19] =	ssyncadd.s32 $0xFFFF9C00  }
.LBB2_6:
0x139: {  	s0 =	sadd.s32 s26, s10  }
0x13a: {  	s0 =	smul.u32 $0x19, s0;
	_ =	sdelay $0x1  }
0x13b: {  	s0 =	sadd.s32 s1, s0  }
0x13c: {  	[tilespmem:s4], [sflag:$0x5] =	stream.linear.gather [hbm4b:s0+s4], $0x190, $0x38;
	[tilespmem:$0x12F20] =	vst v63  }
0x13d: {  	_ =	swait.ge [sflag:s13], $0x190  }
0x13e: {  	[sflag:s13] =	ssyncset.done $0x0  }
.Ltmp3:
0x13f: {  	[sflag:s13] =	ssyncadd.s32 $0xFFFFFE70;
	(pc) =	sbr.rel @p0 .LBB2_8-.Ltmp3, $4  }
0x140: {  	[tilespmem:s15], [sflag:$0x1] =	stream.indirect.gather [hbm4b:s6+s14], $0x40, s4, s14, $0xb8;
	[tilespmem:$0x12F20] =	vst v63  }
0x141: {  	_ =	swait.ge [sflag:s19], $0x6400  }
0x142: {  	[sflag:s19] =	ssyncset.done $0x0  }
0x143: {  	[sflag:s19] =	ssyncadd.s32 $0xFFFF9C00  }
.LBB2_7:
0x144: {  	_ =	swait.ge [sflag:s20], $0x3200  }
0x145: {  	[sflag:s20] =	ssyncset.done $0x0  }
0x146: {  	[sflag:s20] =	ssyncadd.s32 $0xFFFFCE00  }
0x147: {  	_ =	swait.ge [sflag:s20], $0x3200  }
0x148: {  	[sflag:s20] =	ssyncset.done $0x0  }
0x149: {  	[sflag:s20] =	ssyncadd.s32 $0xFFFFCE00  }
.LBB2_8:
0x14a: {  	s26 =	simm.s32 $0x6920  }
0x14b: {  	s28 =	simm.s32 $0xCD20;
	v0 =	vld [tilespmem:s26+$0x1C0]  }
0x14c: {  	v1 =	vld [tilespmem:s28+$0x1C0]  }
0x14d: {  	v2 =	vld [tilespmem:s28+$0xFFFFFE00]  }
0x14e: {  	v3 =	vld [tilespmem:s26+$0xFFFFFE40]  }
0x14f: {  	v4 =	vld [tilespmem:s28+$0xFFFFFE40]  }
0x150: {  	v5 =	vld [tilespmem:s26+$0xFFFFFE80]  }
0x151: {  	v6 =	vld [tilespmem:s28+$0xFFFFFE80]  }
0x152: {  	v7 =	vld [tilespmem:s26+$0xFFFFFEC0]  }
0x153: {  	v8 =	vld [tilespmem:s28+$0xFFFFFEC0]  }
0x154: {  	v9 =	vld [tilespmem:s26+$0xFFFFFF00]  }
0x155: {  	v10 =	vld [tilespmem:s28+$0xFFFFFF00]  }
0x156: {  	v11 =	vld [tilespmem:s26+$0xFFFFFF40]  }
0x157: {  	v12 =	vld [tilespmem:s28+$0xFFFFFF40]  }
0x158: {  	v13 =	vld [tilespmem:s26+$0xFFFFFF80]  }
0x159: {  	v14 =	vld [tilespmem:s28+$0xFFFFFF80]  }
0x15a: {  	v15 =	vld [tilespmem:s26+$0xFFFFFFC0]  }
0x15b: {  	v16 =	vld [tilespmem:s28+$0xFFFFFFC0]  }
0x15c: {  	v17 =	vld [tilespmem:s26+$0x0]  }
0x15d: {  	v18 =	vld [tilespmem:s28+$0x0]  }
0x15e: {  	v19 =	vld [tilespmem:s26+$0x40]  }
0x15f: {  	v20 =	vld [tilespmem:s28+$0x40]  }
0x160: {  	v21 =	vld [tilespmem:s26+$0x80]  }
0x161: {  	v22 =	vld [tilespmem:s28+$0x80]  }
0x162: {  	v23 =	vld [tilespmem:s26+$0xC0]  }
0x163: {  	v24 =	vld [tilespmem:s28+$0xC0]  }
0x164: {  	v25 =	vld [tilespmem:s26+$0x100]  }
0x165: {  	v26 =	vld [tilespmem:s28+$0x100]  }
0x166: {  	v27 =	vld [tilespmem:s26+$0x140]  }
0x167: {  	v28 =	vld [tilespmem:s28+$0x140]  }
0x168: {  	v52 =	vld [tilespmem:s26+$0xFFFFFE10]  }
0x169: {  	v53 =	vld [tilespmem:s26+$0xFFFFFE50]  }
0x16a: {  	v54 =	vld [tilespmem:s26+$0xFFFFFE90]  }
0x16b: {  	v55 =	vld [tilespmem:s26+$0xFFFFFED0]  }
0x16c: {  	v56 =	vld [tilespmem:s26+$0xFFFFFF10]  }
0x16d: {  	v57 =	vld [tilespmem:s26+$0xFFFFFF50]  }
0x16e: {  	v58 =	vld [tilespmem:s26+$0xFFFFFF90]  }
0x16f: {  	v59 =	vld [tilespmem:s26+$0xFFFFFFD0]  }
0x170: {  	v60 =	vld [tilespmem:s26+$0x10]  }
0x171: {  	v61 =	vld [tilespmem:s26+$0x50]  }
0x172: {  	v62 =	vld [tilespmem:s26+$0x90]  }
0x173: {  	v63 =	vld [tilespmem:s26+$0xD0]  }
0x174: {  	v30 =	vld [tilespmem:s26+$0x110]  }
0x175: {  	v31 =	vld [tilespmem:s26+$0x150]  }
0x176: {  	v32 =	vld [tilespmem:s26+$0x190]  }
0x177: {  	v38 =	vld [tilespmem:s26+$0xFFFFFE20]  }
0x178: {  	v39 =	vld [tilespmem:s26+$0xFFFFFE60]  }
0x179: {  	v40 =	vld [tilespmem:s26+$0xFFFFFEA0]  }
0x17a: {  	v41 =	vld [tilespmem:s26+$0xFFFFFEE0]  }
0x17b: {  	v42 =	vld [tilespmem:s26+$0xFFFFFF20]  }
0x17c: {  	v43 =	vld [tilespmem:s26+$0xFFFFFF60]  }
0x17d: {  	v0 =	vadd.f32 v1, v0;
	v3 =	vadd.f32 v4, v3;
	v4 =	vld [tilespmem:s26+$0x180]  }
0x17e: {  	v5 =	vadd.f32 v6, v5;
	v6 =	vld [tilespmem:s28+$0x180]  }
0x17f: {  	v44 =	vadd.f32 v20, v19;
	[tilespmem:s26+$0x1C0] =	vst v0;
	v0 =	vld [tilespmem:s26+$0x1D0]  }
0x180: {  	v46 =	vadd.f32 v24, v23;
	[tilespmem:s26+$0xFFFFFE40] =	vst v3;
	v3 =	vadd.f32 v8, v7;
	v7 =	vld [tilespmem:s26+$0xFFFFFE00]  }
0x181: {  	v49 =	vadd.f32 v28, v27;
	[tilespmem:s26+$0x40] =	vst v44;
	v44 =	vld [tilespmem:s26+$0xFFFFFFA0]  }
0x182: {  	[tilespmem:s26+$0xC0] =	vst v46;
	v46 =	vld [tilespmem:s26+$0x20]  }
0x183: {  	[tilespmem:s26+$0x140] =	vst v49;
	v49 =	vld [tilespmem:s26+$0xE0]  }
0x184: {  	v1 =	vld [tilespmem:s28+$0x1D0]  }
0x185: {  	[tilespmem:s26+$0xFFFFFE80] =	vst v5;
	v8 =	vld [tilespmem:s28+$0xFFFFFE50]  }
0x186: {  	v5 =	vadd.f32 v10, v9;
	v9 =	vld [tilespmem:s28+$0xFFFFFE90]  }
0x187: {  	v48 =	vld [tilespmem:s28+$0x50];
	[tilespmem:s26+$0xFFFFFEC0] =	vst v3;
	v3 =	vadd.f32 v12, v11  }
0x188: {  	[tilespmem:s26+$0xFFFFFF00] =	vst v5;
	v5 =	vadd.f32 v14, v13;
	v10 =	vld [tilespmem:s28+$0xFFFFFED0]  }
0x189: {  	v11 =	vld [tilespmem:s28+$0xFFFFFF10];
	[tilespmem:s26+$0xFFFFFF40] =	vst v3;
	v3 =	vadd.f32 v16, v15  }
0x18a: {  	[tilespmem:s26+$0xFFFFFF80] =	vst v5;
	v2 =	vadd.f32 v2, v7;
	v5 =	vld [tilespmem:s28+$0xFFFFFF50]  }
0x18b: {  	v7 =	vld [tilespmem:s28+$0xFFFFFF90];
	v0 =	vadd.f32 v1, v0;
	[tilespmem:s26+$0xFFFFFFC0] =	vst v3  }
0x18c: {  	[tilespmem:s26+$0xFFFFFE00] =	vst v2;
	v2 =	vld [tilespmem:s28+$0xFFFFFFD0]  }
0x18d: {  	v3 =	vadd.f32 v18, v17;
	[tilespmem:s26+$0x1D0] =	vst v0;
	v0 =	vld [tilespmem:s26+$0x1E0]  }
0x18e: {  	v8 =	vadd.f32 v8, v53;
	v45 =	vld [tilespmem:s28+$0xFFFFFE10]  }
0x18f: {  	v9 =	vadd.f32 v9, v54;
	[tilespmem:s26+$0x0] =	vst v3;
	v1 =	vld [tilespmem:s28+$0x1E0]  }
0x190: {  	[tilespmem:s26+$0xFFFFFE50] =	vst v8;
	v8 =	vadd.f32 v10, v55;
	v47 =	vld [tilespmem:s28+$0x10]  }
0x191: {  	v3 =	vadd.f32 v22, v21;
	[tilespmem:s26+$0xFFFFFE90] =	vst v9;
	v9 =	vadd.f32 v11, v56;
	v11 =	vld [tilespmem:s28+$0xFFFFFE60]  }
0x192: {  	[tilespmem:s26+$0xFFFFFED0] =	vst v8;
	v8 =	vld [tilespmem:s28+$0xFFFFFEA0]  }
0x193: {  	[tilespmem:s26+$0x80] =	vst v3;
	v7 =	vadd.f32 v7, v58;
	v58 =	vld [tilespmem:s26+$0xFFFFFE70]  }
0x194: {  	v3 =	vadd.f32 v26, v25;
	v50 =	vld [tilespmem:s28+$0x90]  }
0x195: {  	v5 =	vadd.f32 v5, v57;
	[tilespmem:s26+$0xFFFFFF10] =	vst v9;
	v9 =	vld [tilespmem:s28+$0xFFFFFEE0]  }
0x196: {  	[tilespmem:s26+$0x100] =	vst v3;
	v3 =	vadd.f32 v6, v4;
	v4 =	vld [tilespmem:s28+$0xD0]  }
0x197: {  	[tilespmem:s26+$0xFFFFFF50] =	vst v5;
	v5 =	vld [tilespmem:s28+$0xFFFFFF20]  }
0x198: {  	v2 =	vadd.f32 v2, v59;
	v59 =	vld [tilespmem:s26+$0xFFFFFEB0]  }
0x199: {  	v6 =	vld [tilespmem:s28+$0x110]  }
0x19a: {  	[tilespmem:s26+$0xFFFFFF90] =	vst v7;
	v33 =	vld [tilespmem:s28+$0xFFFFFF60]  }
0x19b: {  	v34 =	vld [tilespmem:s28+$0xFFFFFFA0]  }
0x19c: {  	v13 =	vadd.f32 v45, v52;
	v45 =	vld [tilespmem:s26+$0xFFFFFFE0]  }
0x19d: {  	[tilespmem:s26+$0x180] =	vst v3;
	v3 =	vld [tilespmem:s28+$0x150]  }
0x19e: {  	v7 =	vadd.f32 v47, v60;
	v47 =	vld [tilespmem:s26+$0x60]  }
0x19f: {  	[tilespmem:s26+$0xFFFFFFD0] =	vst v2;
	v2 =	vadd.f32 v48, v61;
	v48 =	vld [tilespmem:s26+$0xA0]  }
0x1a0: {  	v60 =	vld [tilespmem:s26+$0xFFFFFEF0]  }
0x1a1: {  	v61 =	vld [tilespmem:s26+$0xFFFFFFB0]  }
0x1a2: {  	v0 =	vadd.f32 v1, v0;
	v51 =	vld [tilespmem:s28+$0x190]  }
0x1a3: {  	[tilespmem:s26+$0xFFFFFE10] =	vst v13;
	v35 =	vld [tilespmem:s28+$0xFFFFFFE0]  }
0x1a4: {  	[tilespmem:s26+$0x1E0] =	vst v0;
	v0 =	vld [tilespmem:s26+$0x1F0]  }
0x1a5: {  	v10 =	vld [tilespmem:s28+$0xFFFFFE20]  }
0x1a6: {  	[tilespmem:s26+$0x10] =	vst v7;
	v7 =	vadd.f32 v50, v62;
	v50 =	vld [tilespmem:s26+$0x120]  }
0x1a7: {  	v11 =	vadd.f32 v11, v39;
	v62 =	vld [tilespmem:s26+$0x30]  }
0x1a8: {  	v8 =	vadd.f32 v8, v40;
	[tilespmem:s26+$0x50] =	vst v2;
	v1 =	vld [tilespmem:s28+$0x1F0]  }
0x1a9: {  	[tilespmem:s26+$0xFFFFFE60] =	vst v11;
	v2 =	vadd.f32 v4, v63;
	v4 =	vld [tilespmem:s28+$0x20]  }
0x1aa: {  	[tilespmem:s26+$0xFFFFFEA0] =	vst v8;
	v8 =	vld [tilespmem:s28+$0xFFFFFE70]  }
0x1ab: {  	v9 =	vadd.f32 v9, v41;
	v63 =	vld [tilespmem:s26+$0x70]  }
0x1ac: {  	[tilespmem:s26+$0x90] =	vst v7;
	v7 =	vld [tilespmem:s28+$0x60]  }
0x1ad: {  	[tilespmem:s26+$0xFFFFFEE0] =	vst v9;
	v52 =	vld [tilespmem:s28+$0xFFFFFEB0]  }
0x1ae: {  	v5 =	vadd.f32 v5, v42;
	[tilespmem:s26+$0xD0] =	vst v2;
	v2 =	vadd.f32 v3, v31;
	v3 =	vld [tilespmem:s28+$0xA0]  }
0x1af: {  	v6 =	vadd.f32 v6, v30;
	v53 =	vld [tilespmem:s28+$0xFFFFFEF0]  }
0x1b0: {  	v9 =	vadd.f32 v33, v43;
	[tilespmem:s26+$0xFFFFFF20] =	vst v5;
	v36 =	vld [tilespmem:s28+$0xE0]  }
0x1b1: {  	[tilespmem:s26+$0x110] =	vst v6;
	v6 =	vadd.f32 v51, v32;
	v51 =	vld [tilespmem:s26+$0x160]  }
0x1b2: {  	[tilespmem:s26+$0xFFFFFF60] =	vst v9;
	v54 =	vld [tilespmem:s28+$0xFFFFFF30]  }
0x1b3: {  	[tilespmem:s26+$0x150] =	vst v2;
	v2 =	vld [tilespmem:s28+$0x120]  }
0x1b4: {  	v55 =	vld [tilespmem:s28+$0xFFFFFF70]  }
0x1b5: {  	v10 =	vadd.f32 v10, v38;
	[tilespmem:s26+$0x190] =	vst v6;
	v6 =	vld [tilespmem:s28+$0x160]  }
0x1b6: {  	v5 =	vadd.f32 v34, v44;
	v37 =	vld [tilespmem:s28+$0x1A0]  }
0x1b7: {  	v9 =	vadd.f32 v35, v45;
	[tilespmem:s26+$0xFFFFFE20] =	vst v10;
	v10 =	vld [tilespmem:s26+$0x1A0]  }
0x1b8: {  	[tilespmem:s26+$0xFFFFFFA0] =	vst v5;
	v4 =	vadd.f32 v4, v46;
	v0 =	vadd.f32 v1, v0;
	v1 =	vld [tilespmem:s26+$0xFFFFFF30]  }
0x1b9: {  	[tilespmem:s26+$0xFFFFFFE0] =	vst v9;
	v5 =	vadd.f32 v7, v47;
	v7 =	vld [tilespmem:s28+$0xFFFFFFB0]  }
0x1ba: {  	v9 =	vld [tilespmem:s28+$0xFFFFFFF0];
	[tilespmem:s26+$0x20] =	vst v4;
	v2 =	vadd.f32 v2, v50  }
0x1bb: {  	v11 =	vld [tilespmem:s28+$0xFFFFFE30];
	[tilespmem:s26+$0x1F0] =	vst v0  }
0x1bc: {  	v3 =	vadd.f32 v3, v48;
	[tilespmem:s26+$0x120] =	vst v2;
	v2 =	vadd.f32 v37, v10;
	v10 =	vld [tilespmem:s26+$0xFFFFFE30]  }
0x1bd: {  	v0 =	vadd.f32 v8, v58;
	v8 =	vadd.f32 v52, v59;
	[tilespmem:s26+$0x60] =	vst v5;
	v56 =	vld [tilespmem:s28+$0x30]  }
0x1be: {  	v4 =	vadd.f32 v36, v49;
	[tilespmem:s26+$0xA0] =	vst v3;
	v57 =	vld [tilespmem:s28+$0x70]  }
0x1bf: {  	[tilespmem:s26+$0xFFFFFEB0] =	vst v8;
	v8 =	vld [tilespmem:s26+$0xB0]  }
0x1c0: {  	[tilespmem:s26+$0xE0] =	vst v4;
	v3 =	vadd.f32 v6, v51;
	v6 =	vld [tilespmem:s28+$0xB0]  }
0x1c1: {  	v5 =	vld [tilespmem:s28+$0xF0];
	v10 =	vadd.f32 v11, v10  }
0x1c2: {  	[tilespmem:s26+$0xFFFFFE70] =	vst v0;
	v0 =	vadd.f32 v53, v60;
	v11 =	vld [tilespmem:s26+$0xFFFFFF70]  }
0x1c3: {  	[tilespmem:s26+$0xFFFFFE30] =	vst v10;
	v10 =	vld [tilespmem:s26+$0xFFFFFFF0]  }
0x1c4: {  	v1 =	vadd.f32 v54, v1;
	[tilespmem:s26+$0xFFFFFEF0] =	vst v0;
	v0 =	vld [tilespmem:s26+$0xF0]  }
0x1c5: {  	[tilespmem:s26+$0x160] =	vst v3;
	v4 =	vld [tilespmem:s28+$0x130]  }
0x1c6: {  	v7 =	vadd.f32 v7, v61;
	[tilespmem:s26+$0xFFFFFF30] =	vst v1;
	v1 =	vld [tilespmem:s26+$0x130]  }
0x1c7: {  	[tilespmem:s26+$0x1A0] =	vst v2;
	v3 =	vld [tilespmem:s28+$0x170];
	v11 =	vadd.f32 v55, v11  }
0x1c8: {  	[tilespmem:s26+$0xFFFFFFB0] =	vst v7;
	v7 =	vld [tilespmem:s26+$0x170];
	v9 =	vadd.f32 v9, v10  }
0x1c9: {  	v2 =	vld [tilespmem:s28+$0x1B0];
	[tilespmem:s26+$0xFFFFFF70] =	vst v11;
	v11 =	vadd.f32 v56, v62  }
0x1ca: {  	s29 =	simm.s32 $0x0;
	s0 =	simm.s32 $0x6D20;
	v10 =	vadd.f32 v57, v63;
	[tilespmem:s26+$0xFFFFFFF0] =	vst v9;
	v9 =	vld [tilespmem:s26+$0x1B0]  }
.LBB2_9:
0x1cb: {  	v12 =	vld [tilespmem:s0+$0x1C0];
	[tilespmem:s26+$0x30] =	vst v11;
	v6 =	vadd.f32 v6, v8;
	s28 =	sadd.s32 $0x400, s28  }
0x1cc: {  	s29 =	sadd.s32 $0x10, s29;
	v8 =	vld [tilespmem:s28+$0x1C0];
	[tilespmem:s26+$0x70] =	vst v10;
	v0 =	vadd.f32 v5, v0  }
0x1cd: {  	p0 =	slt.u32 s29, $0x180;
	v5 =	vld [tilespmem:s28+$0xFFFFFE00];
	[tilespmem:s26+$0xB0] =	vst v6;
	v1 =	vadd.f32 v4, v1  }
0x1ce: {  	v4 =	vld [tilespmem:s0+$0xFFFFFE40];
	[tilespmem:s26+$0xF0] =	vst v0;
	v0 =	vadd.f32 v3, v7  }
0x1cf: {  	v3 =	vld [tilespmem:s28+$0xFFFFFE40];
	[tilespmem:s26+$0x130] =	vst v1;
	v1 =	vadd.f32 v2, v9  }
0x1d0: {  	v2 =	vld [tilespmem:s0+$0xFFFFFE80];
	[tilespmem:s26+$0x170] =	vst v0  }
0x1d1: {  	v0 =	vld [tilespmem:s28+$0xFFFFFE80];
	v6 =	vadd.f32 v8, v12;
	[tilespmem:s26+$0x1B0] =	vst v1;
	s26 =	smov.u32 s0  }
0x1d2: {  	v1 =	vld [tilespmem:s0+$0xFFFFFEC0]  }
0x1d3: {  	[tilespmem:s0+$0x1C0] =	vst v6;
	v6 =	vld [tilespmem:s0+$0x1D0]  }
0x1d4: {  	v3 =	vadd.f32 v3, v4;
	v4 =	vld [tilespmem:s28+$0x1D0]  }
0x1d5: {  	v7 =	vld [tilespmem:s28+$0xFFFFFEC0]  }
0x1d6: {  	[tilespmem:s0+$0xFFFFFE40] =	vst v3;
	v0 =	vadd.f32 v0, v2;
	v2 =	vld [tilespmem:s0+$0xFFFFFF00]  }
0x1d7: {  	v3 =	vld [tilespmem:s28+$0xFFFFFF00]  }
0x1d8: {  	[tilespmem:s0+$0xFFFFFE80] =	vst v0;
	v0 =	vld [tilespmem:s0+$0xFFFFFF40]  }
0x1d9: {  	v8 =	vld [tilespmem:s28+$0xFFFFFF40];
	v4 =	vadd.f32 v4, v6  }
0x1da: {  	v1 =	vadd.f32 v7, v1;
	v6 =	vld [tilespmem:s0+$0xFFFFFF80]  }
0x1db: {  	[tilespmem:s0+$0x1D0] =	vst v4;
	v4 =	vld [tilespmem:s0+$0x1E0]  }
0x1dc: {  	[tilespmem:s0+$0xFFFFFEC0] =	vst v1;
	v1 =	vadd.f32 v3, v2;
	v2 =	vld [tilespmem:s28+$0x1E0]  }
0x1dd: {  	v3 =	vld [tilespmem:s28+$0xFFFFFF80]  }
0x1de: {  	[tilespmem:s0+$0xFFFFFF00] =	vst v1;
	v0 =	vadd.f32 v8, v0;
	v1 =	vld [tilespmem:s0+$0xFFFFFFC0]  }
0x1df: {  	v7 =	vld [tilespmem:s28+$0xFFFFFFC0]  }
0x1e0: {  	[tilespmem:s0+$0xFFFFFF40] =	vst v0;
	v0 =	vld [tilespmem:s0+$0x0]  }
0x1e1: {  	v8 =	vld [tilespmem:s28+$0x0];
	v2 =	vadd.f32 v2, v4  }
0x1e2: {  	v3 =	vadd.f32 v3, v6;
	v4 =	vld [tilespmem:s0+$0x40]  }
0x1e3: {  	[tilespmem:s0+$0x1E0] =	vst v2;
	v2 =	vld [tilespmem:s0+$0x1F0]  }
0x1e4: {  	[tilespmem:s0+$0xFFFFFF80] =	vst v3;
	v1 =	vadd.f32 v7, v1;
	v3 =	vld [tilespmem:s28+$0x1F0]  }
0x1e5: {  	v6 =	vld [tilespmem:s28+$0x40]  }
0x1e6: {  	[tilespmem:s0+$0xFFFFFFC0] =	vst v1;
	v0 =	vadd.f32 v8, v0;
	v1 =	vld [tilespmem:s0+$0x80]  }
0x1e7: {  	v7 =	vld [tilespmem:s28+$0x80]  }
0x1e8: {  	[tilespmem:s0+$0x0] =	vst v0;
	v0 =	vld [tilespmem:s0+$0xC0]  }
0x1e9: {  	v8 =	vld [tilespmem:s28+$0xC0];
	v2 =	vadd.f32 v3, v2  }
0x1ea: {  	v3 =	vadd.f32 v6, v4;
	v4 =	vld [tilespmem:s0+$0x100]  }
0x1eb: {  	v6 =	vld [tilespmem:s28+$0x100];
	[tilespmem:s0+$0x1F0] =	vst v2  }
0x1ec: {  	[tilespmem:s0+$0x40] =	vst v3;
	v1 =	vadd.f32 v7, v1;
	v2 =	vld [tilespmem:s0+$0x140]  }
0x1ed: {  	v3 =	vld [tilespmem:s28+$0x140]  }
0x1ee: {  	[tilespmem:s0+$0x80] =	vst v1;
	v0 =	vadd.f32 v8, v0;
	v1 =	vld [tilespmem:s0+$0x180]  }
0x1ef: {  	v7 =	vld [tilespmem:s28+$0x180]  }
0x1f0: {  	v8 =	vld [tilespmem:s0+$0xFFFFFE00];
	[tilespmem:s0+$0xC0] =	vst v0;
	v0 =	vadd.f32 v6, v4  }
0x1f1: {  	v4 =	vld [tilespmem:s28+$0xFFFFFE50]  }
0x1f2: {  	v6 =	vld [tilespmem:s28+$0xFFFFFE90];
	[tilespmem:s0+$0x100] =	vst v0;
	v0 =	vadd.f32 v3, v2  }
0x1f3: {  	v2 =	vld [tilespmem:s28+$0xFFFFFED0]  }
0x1f4: {  	v3 =	vld [tilespmem:s28+$0xFFFFFF10];
	[tilespmem:s0+$0x140] =	vst v0;
	v0 =	vadd.f32 v7, v1  }
0x1f5: {  	v1 =	vadd.f32 v5, v8;
	v5 =	vld [tilespmem:s28+$0xFFFFFF50]  }
0x1f6: {  	v7 =	vld [tilespmem:s28+$0xFFFFFF90];
	[tilespmem:s0+$0x180] =	vst v0  }
0x1f7: {  	[tilespmem:s0+$0xFFFFFE00] =	vst v1;
	v0 =	vld [tilespmem:s28+$0xFFFFFFD0]  }
0x1f8: {  	v1 =	vld [tilespmem:s28+$0xFFFFFE10]  }
0x1f9: {  	v8 =	vld [tilespmem:s28+$0x10]  }
0x1fa: {  	v9 =	vld [tilespmem:s28+$0x50]  }
0x1fb: {  	v10 =	vld [tilespmem:s28+$0x90]  }
0x1fc: {  	v11 =	vld [tilespmem:s28+$0xD0]  }
0x1fd: {  	v12 =	vld [tilespmem:s28+$0x110]  }
0x1fe: {  	v13 =	vld [tilespmem:s28+$0x150]  }
0x1ff: {  	v14 =	vld [tilespmem:s28+$0x190]  }
0x200: {  	v15 =	vld [tilespmem:s0+$0xFFFFFE10]  }
0x201: {  	v16 =	vld [tilespmem:s0+$0xFFFFFE50]  }
0x202: {  	v17 =	vld [tilespmem:s0+$0xFFFFFE90]  }
0x203: {  	v18 =	vld [tilespmem:s0+$0xFFFFFED0]  }
0x204: {  	v19 =	vld [tilespmem:s0+$0xFFFFFF10]  }
0x205: {  	v1 =	vadd.f32 v1, v15;
	v15 =	vld [tilespmem:s0+$0xFFFFFF50]  }
0x206: {  	v4 =	vadd.f32 v4, v16;
	v16 =	vld [tilespmem:s0+$0xFFFFFF90]  }
0x207: {  	[tilespmem:s0+$0xFFFFFE10] =	vst v1;
	v1 =	vadd.f32 v6, v17;
	v6 =	vld [tilespmem:s0+$0xFFFFFFD0]  }
0x208: {  	[tilespmem:s0+$0xFFFFFE50] =	vst v4;
	v2 =	vadd.f32 v2, v18;
	v4 =	vld [tilespmem:s0+$0x10]  }
0x209: {  	[tilespmem:s0+$0xFFFFFE90] =	vst v1;
	v1 =	vadd.f32 v3, v19;
	v3 =	vld [tilespmem:s0+$0x50]  }
0x20a: {  	[tilespmem:s0+$0xFFFFFED0] =	vst v2;
	v2 =	vadd.f32 v5, v15;
	v5 =	vld [tilespmem:s0+$0x90]  }
0x20b: {  	[tilespmem:s0+$0xFFFFFF10] =	vst v1;
	v1 =	vadd.f32 v7, v16;
	v7 =	vld [tilespmem:s0+$0xD0]  }
0x20c: {  	[tilespmem:s0+$0xFFFFFF50] =	vst v2;
	v0 =	vadd.f32 v0, v6;
	v2 =	vld [tilespmem:s0+$0x110]  }
0x20d: {  	[tilespmem:s0+$0xFFFFFF90] =	vst v1;
	v1 =	vadd.f32 v8, v4;
	v4 =	vld [tilespmem:s0+$0x150]  }
0x20e: {  	[tilespmem:s0+$0xFFFFFFD0] =	vst v0;
	v0 =	vadd.f32 v9, v3;
	v3 =	vld [tilespmem:s0+$0x190]  }
0x20f: {  	v6 =	vld [tilespmem:s28+$0xFFFFFE20];
	[tilespmem:s0+$0x10] =	vst v1;
	v1 =	vadd.f32 v10, v5  }
0x210: {  	v5 =	vld [tilespmem:s28+$0xFFFFFE60];
	[tilespmem:s0+$0x50] =	vst v0;
	v0 =	vadd.f32 v11, v7  }
0x211: {  	v7 =	vld [tilespmem:s28+$0xFFFFFEA0];
	[tilespmem:s0+$0x90] =	vst v1;
	v1 =	vadd.f32 v12, v2  }
0x212: {  	v2 =	vld [tilespmem:s28+$0xFFFFFEE0];
	[tilespmem:s0+$0xD0] =	vst v0;
	v0 =	vadd.f32 v13, v4  }
0x213: {  	v4 =	vld [tilespmem:s28+$0xFFFFFF20];
	[tilespmem:s0+$0x110] =	vst v1;
	v1 =	vadd.f32 v14, v3  }
0x214: {  	v3 =	vld [tilespmem:s28+$0xFFFFFF60];
	[tilespmem:s0+$0x150] =	vst v0  }
0x215: {  	v0 =	vld [tilespmem:s28+$0xFFFFFFA0];
	[tilespmem:s0+$0x190] =	vst v1  }
0x216: {  	v1 =	vld [tilespmem:s28+$0xFFFFFFE0]  }
0x217: {  	v8 =	vld [tilespmem:s28+$0x20]  }
0x218: {  	v9 =	vld [tilespmem:s28+$0x60]  }
0x219: {  	v10 =	vld [tilespmem:s28+$0xA0]  }
0x21a: {  	v11 =	vld [tilespmem:s28+$0xE0]  }
0x21b: {  	v12 =	vld [tilespmem:s28+$0x120]  }
0x21c: {  	v13 =	vld [tilespmem:s28+$0x160]  }
0x21d: {  	v14 =	vld [tilespmem:s28+$0x1A0]  }
0x21e: {  	v15 =	vld [tilespmem:s0+$0xFFFFFE20]  }
0x21f: {  	v16 =	vld [tilespmem:s0+$0xFFFFFE60]  }
0x220: {  	v17 =	vld [tilespmem:s0+$0xFFFFFEA0]  }
0x221: {  	v18 =	vld [tilespmem:s0+$0xFFFFFEE0]  }
0x222: {  	v19 =	vld [tilespmem:s0+$0xFFFFFF20]  }
0x223: {  	v6 =	vadd.f32 v6, v15;
	v15 =	vld [tilespmem:s0+$0xFFFFFF60]  }
0x224: {  	v5 =	vadd.f32 v5, v16;
	v16 =	vld [tilespmem:s0+$0xFFFFFFA0]  }
0x225: {  	[tilespmem:s0+$0xFFFFFE20] =	vst v6;
	v6 =	vadd.f32 v7, v17;
	v7 =	vld [tilespmem:s0+$0xFFFFFFE0]  }
0x226: {  	[tilespmem:s0+$0xFFFFFE60] =	vst v5;
	v2 =	vadd.f32 v2, v18;
	v5 =	vld [tilespmem:s0+$0x20]  }
0x227: {  	[tilespmem:s0+$0xFFFFFEA0] =	vst v6;
	v4 =	vadd.f32 v4, v19;
	v6 =	vld [tilespmem:s0+$0x60]  }
0x228: {  	[tilespmem:s0+$0xFFFFFEE0] =	vst v2;
	v2 =	vadd.f32 v3, v15;
	v3 =	vld [tilespmem:s0+$0xA0]  }
0x229: {  	[tilespmem:s0+$0xFFFFFF20] =	vst v4;
	v0 =	vadd.f32 v0, v16;
	v4 =	vld [tilespmem:s0+$0xE0]  }
0x22a: {  	[tilespmem:s0+$0xFFFFFF60] =	vst v2;
	v1 =	vadd.f32 v1, v7;
	v2 =	vld [tilespmem:s0+$0x120]  }
0x22b: {  	[tilespmem:s0+$0xFFFFFFA0] =	vst v0;
	v0 =	vadd.f32 v8, v5;
	v5 =	vld [tilespmem:s0+$0x160]  }
0x22c: {  	[tilespmem:s0+$0xFFFFFFE0] =	vst v1;
	v1 =	vadd.f32 v9, v6;
	v6 =	vld [tilespmem:s0+$0x1A0]  }
0x22d: {  	v7 =	vld [tilespmem:s28+$0xFFFFFE30];
	[tilespmem:s0+$0x20] =	vst v0;
	v0 =	vadd.f32 v10, v3  }
0x22e: {  	v8 =	vld [tilespmem:s28+$0xFFFFFE70];
	[tilespmem:s0+$0x60] =	vst v1;
	v1 =	vadd.f32 v11, v4  }
0x22f: {  	v9 =	vld [tilespmem:s28+$0xFFFFFEB0];
	[tilespmem:s0+$0xA0] =	vst v0;
	v0 =	vadd.f32 v12, v2  }
0x230: {  	v10 =	vld [tilespmem:s28+$0xFFFFFEF0];
	[tilespmem:s0+$0xE0] =	vst v1;
	v1 =	vadd.f32 v13, v5  }
0x231: {  	v11 =	vld [tilespmem:s28+$0xFFFFFF30];
	[tilespmem:s0+$0x120] =	vst v0;
	v0 =	vadd.f32 v14, v6  }
0x232: {  	v12 =	vld [tilespmem:s28+$0xFFFFFF70];
	[tilespmem:s0+$0x160] =	vst v1  }
0x233: {  	v1 =	vld [tilespmem:s28+$0xFFFFFFB0];
	[tilespmem:s0+$0x1A0] =	vst v0  }
0x234: {  	v13 =	vld [tilespmem:s28+$0xFFFFFFF0]  }
0x235: {  	v14 =	vld [tilespmem:s28+$0x30]  }
0x236: {  	v15 =	vld [tilespmem:s28+$0x70]  }
0x237: {  	v6 =	vld [tilespmem:s28+$0xB0]  }
0x238: {  	v5 =	vld [tilespmem:s28+$0xF0]  }
0x239: {  	v4 =	vld [tilespmem:s28+$0x130]  }
0x23a: {  	v3 =	vld [tilespmem:s28+$0x170]  }
0x23b: {  	v2 =	vld [tilespmem:s28+$0x1B0]  }
0x23c: {  	v0 =	vld [tilespmem:s0+$0xFFFFFE30]  }
0x23d: {  	v16 =	vld [tilespmem:s0+$0xFFFFFE70]  }
0x23e: {  	v17 =	vld [tilespmem:s0+$0xFFFFFEB0]  }
0x23f: {  	v18 =	vld [tilespmem:s0+$0xFFFFFEF0]  }
0x240: {  	v19 =	vld [tilespmem:s0+$0xFFFFFF30]  }
0x241: {  	v0 =	vadd.f32 v7, v0;
	v7 =	vld [tilespmem:s0+$0xFFFFFF70]  }
0x242: {  	v8 =	vadd.f32 v8, v16;
	v16 =	vld [tilespmem:s0+$0xFFFFFFB0]  }
0x243: {  	[tilespmem:s0+$0xFFFFFE30] =	vst v0;
	v0 =	vadd.f32 v9, v17;
	v9 =	vld [tilespmem:s0+$0xFFFFFFF0]  }
0x244: {  	[tilespmem:s0+$0xFFFFFE70] =	vst v8;
	v8 =	vadd.f32 v10, v18;
	v10 =	vld [tilespmem:s0+$0x30]  }
0x245: {  	[tilespmem:s0+$0xFFFFFEB0] =	vst v0;
	v0 =	vadd.f32 v11, v19;
	v17 =	vld [tilespmem:s0+$0x70]  }
.Ltmp4:
0x246: {  	[tilespmem:s0+$0xFFFFFEF0] =	vst v8;
	v7 =	vadd.f32 v12, v7;
	v8 =	vld [tilespmem:s0+$0xB0];
	(pc) =	sbr.rel @p0 .LBB2_9-.Ltmp4, $4  }
0x247: {  	[tilespmem:s0+$0xFFFFFF30] =	vst v0;
	v11 =	vadd.f32 v1, v16;
	v0 =	vld [tilespmem:s0+$0xF0]  }
0x248: {  	[tilespmem:s0+$0xFFFFFF70] =	vst v7;
	v9 =	vadd.f32 v13, v9;
	v1 =	vld [tilespmem:s0+$0x130]  }
0x249: {  	[tilespmem:s0+$0xFFFFFFB0] =	vst v11;
	v11 =	vadd.f32 v14, v10;
	v7 =	vld [tilespmem:s0+$0x170]  }
0x24a: {  	s0 =	sadd.s32 $0x400, s0;
	[tilespmem:s26+$0xFFFFFFF0] =	vst v9;
	v10 =	vadd.f32 v15, v17;
	v9 =	vld [tilespmem:s26+$0x1B0]  }
0x24b: {  	[tilespmem:s26+$0x30] =	vst v11;
	v6 =	vadd.f32 v6, v8  }
0x24c: {  	[tilespmem:s26+$0x70] =	vst v10;
	v0 =	vadd.f32 v5, v0  }
0x24d: {  	[tilespmem:s26+$0xB0] =	vst v6;
	v1 =	vadd.f32 v4, v1  }
0x24e: {  	s0 =	smul.u32 $0x640, s25;
	[tilespmem:s26+$0xF0] =	vst v0;
	v62 =	vadd.f32 v3, v7  }
0x24f: {  	s30 =	smul.u32 $0x3200, s25;
	s24 =	sadd.s32 $0x1, s24;
	[tilespmem:s26+$0x130] =	vst v1;
	v63 =	vadd.f32 v2, v9  }
0x250: {  	p0 =	sne.s32 s24, $0x20;
	[tilespmem:s26+$0x170] =	vst v62  }
.Ltmp5:
0x251: {  	s0 =	sadd.s32 s3, s0;
	s31 =	sshrl.u32 s30, $0x3;
	[tilespmem:s26+$0x1B0] =	vst v63;
	(pc) =	sbr.rel @p0 .LBB2_2-.Ltmp5, $4  }
0x252: {  	[hbm4b:s0+s4] =	stream.linear.scatter [tilespmem:s16], [sflag:$0x4], $0x3200, $0x38;
	[tilespmem:$0x12F20] =	vst v63  }
0x253: {  	s0 =	sadd.s32 s3, s31  }
0x254: {  	s0 =	sadd.s32 $0x640, s0  }
0x255: {  	[hbm4b:s0+s4] =	stream.linear.scatter [tilespmem:s21], [sflag:$0x4], $0x3200, $0x38;
	[tilespmem:$0x12F20] =	vst v63  }
0x256: {  	_ =	swait.ge [sflag:s22], $0x3200  }
0x257: {  	[sflag:s22] =	ssyncset.done $0x0  }
0x258: {  	[sflag:s22] =	ssyncadd.s32 $0xFFFFCE00  }
0x259: {  	_ =	swait.ge [sflag:s22], $0x3200  }
0x25a: {  	[sflag:s22] =	ssyncset.done $0x0  }
0x25b: {  	s23 =	sadd.s32 $0x1, s23;
	[sflag:s22] =	ssyncadd.s32 $0xFFFFCE00  }
0x25c: {  	p0 =	sne.s32 s23, s11;
	_ =	swait.ge [sflag:s20], $0x3200  }
.Ltmp6:
0x25d: {  	[sflag:s20] =	ssyncset.done $0x0;
	(pc) =	sbr.rel @p0 .LBB2_1-.Ltmp6, $4  }
0x25e: {  	[sflag:s20] =	ssyncadd.s32 $0xFFFFCE00  }
0x25f: {  	_ =	swait.ge [sflag:s20], $0x3200  }
0x260: {  	[sflag:s20] =	ssyncset.done $0x0  }
0x261: {  	[sflag:s20] =	ssyncadd.s32 $0xFFFFCE00  }
0x262: {  	_ =	sfence.sel $0x180000  }
0x263: {  	[bflag:$0x0] =	sbarrier.arrive $0xFFFF  }
0x264: {  	_ =	strace $0x90000047  }
0x265: {  	[bflag:$0x2] =	sbarrier.arrive $0xFFFF  }
0x266: {  	p0 =	sne.s32 s2, $0x0;
	s0 =	rddreg [dreg:$0x3]  }
0x267: {  	s0 =	sadd.s32 @!p0 $0x100000, s0  }
0x268: {  	[sflag:s0] =	ssyncadd.tile.s32 @!p0 $0x1;
	_ =	shalt  }
.Lfunc_end2:
_tile_overlayer_lowered:
.L_overlay_start_2:
0x269: {  	(tag) =	ssettag $0x2  }
0x26a: {  	s0 =	rddreg [dreg:$0x0];
	s2 =	stileid.u32  }
0x26b: {  	s1 =	rddreg [dreg:$0x1];
	p0 =	sne.s32 s2, $0x0  }
0x26c: {  	s3 =	rddreg [dreg:$0x2];
	[bflag:$0x3] =	sbarrier.arrive $0xFFFF;
	s2 =	simm.s32 @!p0 $0x1C05  }
0x26d: {  	[timem:s3], [sflag:s2] =	dma.local @!p0 [hbm:s0], s1  }
0x26e: {  	s0 =	simm.s32 @!p0 $0x5  }
0x26f: {  	_ =	swait.ge @!p0 [sflag:s0], s1  }
0x270: {  	s1 =	ssub.s32 @!p0 $0x0, s1;
	[sflag:s0] =	ssyncset.done @!p0 $0x0  }
0x271: {  	[sflag:s0] =	ssyncadd.s32 @!p0 s1  }
0x272: {  	[bflag:$0x3] =	sbarrier.arrive $0xFFFF  }
0x273: {  	_ =	shalt  }

// kernel: sparse-core-data-format-call.cloned.1.call-start
scs
called_computation_lowered:
.L_overlay_start_0:
0x0: {  	s2 =	sld [smem:$0x3FD9]  }
0x1: {  	s3 =	sld [smem:$0x3FFE];
	_ =	sdelay $0x1  }
0x2: {  	s1 =	srdreg.scid  }
0x3: {  	s0 =	sand.u32 $0x1, s1  }
0x4: {  	s18 =	sshll.u32 s0, $0xA;
	s2 =	sadd.s32 s3, s2  }
0x5: {  	s2 =	sadd.s32 s2, s18  }
0x6: {  	[smem:$0x3FC5] =	sst s2  }
0x7: {  	_ = 	snop  }
0x8: {  	s2 =	sld [smem:$0x3FD0];
	(tm) =	ssettm $0x1  }
0x9: {  	s19 =	sld [smem:$0x3FFB];
	_ =	sdelay $0x3  }
0xa: {  	_ =	strace s19  }
0xb: {  	s3 =	sld [smem:$0x3FFC];
	_ =	sdelay $0x3  }
0xc: {  	_ =	strace s3  }
0xd: {  	s3 =	sld [smem:$0x3FFD];
	_ =	sdelay $0x3  }
0xe: {  	_ =	strace s3  }
0xf: {  	_ =	strace $0x8FFFFFFF  }
0x10: {  	s20 =	sld [smem:$0x3FDB];
	_ =	sdelay $0x1  }
0x11: {  	s4 =	simm.s32 $_scs_section_size  }
0x12: {  	s5 =	simm.s32 $_size__tile_overlayer_lowered;
	s6 =	simm.s32 $_tile_overlayer_lowered  }
0x13: {  	s23 =	simm.s32 $0x1BFF;
	s22 =	sshll.u32 s6, $0x1;
	s3 =	sadd.s32 s4, s20  }
0x14: {  	s7 =	simm.s32 $0x0;
	s21 =	sshll.u32 s5, $0x1;
	s5 =	sadd.s32 s22, s3  }
0x15: {  	[timem:s7], [sflag:s23] =	dma.local [hbm:s5], s21  }
0x16: {  	_ =	swait.ge [sflag:s23], s21  }
0x17: {  	s4 =	ssub.s32 $0x0, s21;
	[sflag:s23] =	ssyncset.done $0x0  }
0x18: {  	[sflag:s23] =	ssyncadd.s32 s4;
	_ =	sdelay $0x1  }
0x19: {  	s24 =	simm.s32 $0x1B8B  }
0x1a: {  	_ =	swait.ge [sflag:s24], $0x1  }
0x1b: {  	[sflag:s24] =	ssyncset.done $0x0  }
0x1c: {  	s26 =	simm.s32 $0x1B8E;
	s25 =	sld [smem:$0x3FFE];
	[sflag:s24] =	ssyncadd.s32 $0xFFFFFFFF  }
0x1d: {  	s27 =	simm.s32 $execute0_lowered;
	[smem:$0x3FD2] =	sst s26  }
0x1e: {  	s5 =	sshll.u32 s27, $0x1;
	_ =	strace $0x80000049;
	[dreg:$0x1] =	wrdreg $0xFFFFFFFF  }
0x1f: {  	s28 =	simm.s32 $_size_execute0_lowered;
	s3 =	sadd.s32 s3, s5;
	[dreg:$0x0] =	wrdreg $0x0  }
0x20: {  	s5 =	sshll.u32 s28, $0x1;
	[dreg:$0x2] =	wrdreg s3  }
0x21: {  	[dreg:$0x3] =	wrdreg s5  }
0x22: {  	[dreg:$0x4] =	wrdreg $0xC0  }
0x23: {  	_ =	task [dreg:s7], $0x5FFFF  }
0x24: {  	[dreg:$0x1] =	wrdreg $0xFFFFFFFF  }
0x25: {  	[dreg:$0x0] =	wrdreg $0x60  }
0x26: {  	[dreg:$0x2] =	wrdreg s25  }
0x27: {  	[dreg:$0x3] =	wrdreg s2  }
0x28: {  	[dreg:$0x4] =	wrdreg $0x9  }
0x29: {  	_ =	task.clear_ibuf [dreg:s7], $0x5FFFF;
	_ =	strace $0x90000049  }
0x2a: {  	s29 =	simm.s32 $0x9;
	_ =	strace $0x8000004B  }
0x2b: {  	_ =	swait.ge [sflag:s29], $0x1  }
0x2c: {  	[sflag:s29] =	ssyncadd.s32 $0xFFFFFFFF  }
0x2d: {  	_ =	strace $0x9000004B  }
0x2e: {  	_ =	sfence  }
0x2f: {  	s30 =	sld [smem:$0x0];
	_ =	sdelay $0x2  }
0x30: {  	s31 =	sshll.u32 s1, $0xD;
	s1 =	sshrl.u32 s1, $0x2  }
0x31: {  	s3 =	sand.u32 $0x4000, s31;
	s1 =	sadd.s32 s1, s30  }
0x32: {  	s0 =	sor.u32 s3, s0;
	s1 =	sshll.u32 s1, $0x11  }
0x33: {  	s0 =	sor.u32 s1, s0  }
0x34: {  	s0 =	sadd.s32 $0x8F2B, s0  }
0x35: {  	[sflag:s0] =	ssyncadd.remote.s32 $0x1  }
0x36: {  	_ =	sfence.sel $0xFFFF  }
0x37: {  	[dreg:$0x0] =	wrdreg $0xFFFFFFFF;
	(pc) =	sbr.abs _section_cstart, $3  }
0x38: {  	[dreg:$0x1] =	wrdreg $0xFFFFFFFF  }
0x39: {  	_ =	task.clear_ibuf [dreg:s7], $0x2FFFF;
	_ =	strace $0x9FFFFFFF  }
0x3a: {  	(tm) =	ssettm $0x7FFFFFFF  }
0x3b: {  	_ =	shalt  }
tec
execute0_lowered:
.L_overlay_start_1:
0x0: {  	(tag) =	ssettag $0x1  }
0x1: {  	s0 =	srdreg.scid  }
0x2: {  	s1 =	sshll.u32 s0, $0x4  }
0x3: {  	s0 =	stileid.u32;
	s1 =	sand.u32 $0x10, s1  }
0x4: {  	s1 =	sor.u32 s0, s1  }
0x5: {  	s6 =	rddreg [dreg:$0x0];
	s4 =	simm.s32 $0x1;
	s2 =	sshll.u32 s1, $0x7  }
0x6: {  	s7 =	simm.s32 $0x2;
	s12 =	simm.s32 $0x0;
	s1 =	ssub.s32 $0x1000, s2  }
0x7: {  	s8 =	simm.s32 $0x8000;
	s13 =	simm.s32 $0x0;
	s3 =	sand.u32 $0xF80, s1  }
0x8: {  	s9 =	simm.s32 $0x0;
	s5 =	sshrl.u32 s1, $0xC;
	p0 =	sne.s32 s3, $0x0  }
.Ltmp0:
0x9: {  	s1 =	rddreg [dreg:$0x2];
	s4 =	simm.s32 @!p0 $0x0;
	(pc) =	sbr.rel .LBB1_1-.Ltmp0, $4  }
0xa: {  	s11 =	simm.s32 $0x0;
	s3 =	rddreg [dreg:$0x1];
	s5 =	sadd.s32 s4, s5  }
0xb: {  	_ =	strace $0x8000004A;
	s4 =	simm.s32 $0x1;
	s5 =	smul.u32 $0xC8, s5  }
0xc: {  	s6 =	sadd.s32 $0xA00, s6;
	s10 =	smov.u32 s2;
	[sflag:s4] =	ssyncpa.u1 $0x0  }
0xd: {  	p0 =	por $0x0, $0x0;
	[sflag:s7] =	ssyncpa.u1 $0x0;
	s7 =	sor.u32 $0x1, s5  }
.LBB1_4:
0xe: {  	s16 =	sshll.u32 s13, $0x3;
	s17 =	sand.u32 $0x78, s13  }
0xf: {  	s30 =	sand.u32 $0x7E00, s13;
	s12 =	sshll.u32 s12, $0xF;
	s16 =	sand.u32 $0xC00, s16  }
0x10: {  	[tilespmem:s15+$0x810 ss:$0x81] =	vst.msk $0xffff, v2;
	s31 =	sand.u32 $0x7, s13;
	s16 =	sor.u32 s17, s16;
	s17 =	sadd.s32 s3, s30  }
0x11: {  	[tilespmem:s15+$0x1020 ss:$0x81] =	vst.msk $0xffff, v0;
	s13 =	sshll.u32 s31, $0x12;
	s12 =	sadd.s32 s12, s17;
	s16 =	sshrl.u32 s16, $0x3  }
0x12: {  	[tilespmem:s15+$0x0 ss:$0x81] =	vst.msk $0xffff, v1;
	s13 =	sor.u32 $0x400, s13;
	s12 =	sadd.s32 s16, s12  }
0x13: {  	[hbm4b:s12+s13] =	stream.strided.scatter [tilespmem:s14], [sflag:$0x2], $0x2000, s8, s13, $0x20;
	[tilespmem:$0x8080] =	vst v63  }
.LBB1_5:
0x14: {  	s14 =	sadd.s32 $0x1, s9  }
0x15: {  	s12 =	sadd.s32 $0x1000, s10;
	s16 =	smov.u32 s10;
	p2 =	sgt.s32 s14, $0xC7  }
0x16: {  	s16 =	smov.u32 @p2 s12  }
0x17: {  	s14 =	simm.s32 @p2 $0x0;
	p2 =	sgt.s32 s16, $0xFFF  }
0x18: {  	s16 =	smov.u32 @p2 s2;
	p2 =	sne.s32 s11, s7  }
.Ltmp1:
0x19: {  	p1 =	slt.u32 s11, $0x2;
	(pc) =	sbr.rel @!p2 .LBB1_6-.Ltmp1, $4  }
0x1a: {  	s15 =	simm.s32 @!p1 $0x2  }
0x1b: {  	s13 =	smov.u32 s10;
	p0 =	por !p0, !p0;
	_ =	swait.ge @!p1 [sflag:s15], $0x2000  }
0x1c: {  	s12 =	smov.u32 s9;
	[sflag:s15] =	ssyncset.done @!p1 $0x0;
	s9 =	smov.u32 s14  }
0x1d: {  	s11 =	sadd.s32 $0x1, s11;
	[sflag:s15] =	ssyncadd.s32 @!p1 $0xFFFFE000;
	s10 =	smov.u32 s16  }
.LBB1_1:
0x1e: {  	p1 =	sge.u32 s11, s5  }
0x1f: {  	s14 =	sand.u32 @!p1 $0x1FFFFFF, s9  }
0x20: {  	s15 =	smulhi.u32 @!p1 $0x147AE15, s14;
	_ =	sdelay $0x1  }
0x21: {  	s15 =	smul.u32 @!p1 $0xC8, s15  }
0x22: {  	s16 =	sxor.u32 @!p1 $0xFFFFFFFF, s11;
	s17 =	smul.u32 @!p1 $0xC80, s10  }
0x23: {  	s31 =	sadd.s32 $0xFFFFFFFF, s11;
	s16 =	sshll.u32 @!p1 s16, $0xD;
	s14 =	ssub.s32 @!p1 s14, s15  }
0x24: {  	s15 =	sand.u32 @!p1 $0x2000, s16;
	s16 =	sadd.s32 @!p1 s6, s17;
	s14 =	sshll.u32 @!p1 s14, $0x4  }
0x25: {  	s17 =	simm.s32 @!p1 $0x6400;
	s14 =	sadd.s32 @!p1 s14, s16;
	s16 =	simm.s32 @!p1 $0x40  }
0x26: {  	[tilespmem:s15], [sflag:$0x1] =	stream.strided.gather @!p1 [hbm4b:s14+s16], $0x2000, s17, s16, $0x38;
	[tilespmem:$0x8080] =	vst v63  }
0x27: {  	p1 =	sge.u32 s31, s5  }
.Ltmp2:
0x28: {  	_ = 	snop;
	(pc) =	sbr.rel @p1 .LBB1_5-.Ltmp2, $1  }
0x29: {  	_ =	sdelay $0x3  }
0x2a: {  	s14 =	simm.s32 $0x1  }
0x2b: {  	_ =	swait.ge [sflag:s4], $0x2000;
	s14 =	simm.s32 @!p0 $0x0  }
0x2c: {  	[sflag:s4] =	ssyncset.done $0x0;
	s15 =	sshll.u32 s14, $0xD  }
0x2d: {  	[sflag:s4] =	ssyncadd.s32 $0xFFFFE000;
	s18 =	sor.u32 $0x20, s15  }
0x2e: {  	s14 =	smul.u32 $0x8100, s14;
	v3 =	vld [tilespmem:s18+$0x10]  }
0x2f: {  	s30 =	sand.u32 $0x1, s11;
	v2 =	vld [tilespmem:s18+$0xFFFFFFF0]  }
0x30: {  	s15 =	smul.u32 $0x8100, s30;
	s14 =	sshrl.u32 s14, $0x2;
	v0 =	vld [tilespmem:s18+$0x0]  }
0x31: {  	v1 =	vld [tilespmem:s18+$0xFFFFFFE0];
	s16 =	sor.u32 $0x4000, s14  }
0x32: {  	s31 =	sshrl.u32 s15, $0x2;
	s15 =	sadd.s32 $0x0, s16  }
0x33: {  	s17 =	simm.s32 $0x4;
	s18 =	sadd.s32 $0x40, s18;
	s14 =	sor.u32 $0x4000, s31;
	[tilespmem:s15+$0x1830 ss:$0x81] =	vst.msk $0xffff, v3  }
.LBB1_3:
0x34: {  	v3 =	vld [tilespmem:s18+$0x10];
	p1 =	sne.s32 s17, $0x1FC;
	[tilespmem:s15+$0x810 ss:$0x81] =	vst.msk $0xffff, v2;
	s19 =	smov.u32 s17;
	s17 =	sadd.s32 $0x4, s17  }
.Ltmp3:
0x35: {  	v2 =	vld [tilespmem:s18+$0xFFFFFFF0];
	[tilespmem:s15+$0x1020 ss:$0x81] =	vst.msk $0xffff, v0;
	(pc) =	sbr.rel @p1 .LBB1_3-.Ltmp3, $4  }
0x36: {  	v0 =	vld [tilespmem:s18+$0x0];
	[tilespmem:s15+$0x0 ss:$0x81] =	vst.msk $0xffff, v1  }
0x37: {  	s15 =	sshra.s32 s19, $0x2;
	v1 =	vld [tilespmem:s18+$0xFFFFFFE0]  }
0x38: {  	s15 =	sadd.s32 s15, s16  }
0x39: {  	s18 =	sadd.s32 $0x40, s18;
	[tilespmem:s15+$0x1830 ss:$0x81] =	vst.msk $0xffff, v3  }
.Ltmp4:
0x3a: {  	_ = 	snop;
	(pc) =	sbr.rel .LBB1_4-.Ltmp4, $1  }
0x3b: {  	_ =	sdelay $0x3  }
.LBB1_6:
0x3c: {  	_ =	sfence.sel $0x180000  }
0x3d: {  	s2 =	simm.s32 $0x1;
	[bflag:$0x0] =	sbarrier.arrive $0xFFFF  }
0x3e: {  	s31 =	simm.s32 $0x2;
	[sflag:s2] =	ssyncpa.u1 $0x1  }
0x3f: {  	[sflag:s31] =	ssyncpa.u1 $0x1  }
0x40: {  	p0 =	sne.s32 s0, $0x0;
	_ =	strace $0x9000004A  }
0x41: {  	s0 =	sadd.s32 @!p0 $0x100000, s1;
	[bflag:$0x2] =	sbarrier.arrive $0xFFFF  }
0x42: {  	[sflag:s0] =	ssyncadd.tile.s32 @!p0 $0x1;
	_ =	shalt  }
.Lfunc_end1:
_tile_overlayer_lowered:
.L_overlay_start_2:
0x43: {  	(tag) =	ssettag $0x2  }
0x44: {  	s0 =	rddreg [dreg:$0x0];
	s2 =	stileid.u32  }
0x45: {  	s1 =	rddreg [dreg:$0x1];
	p0 =	sne.s32 s2, $0x0  }
0x46: {  	s3 =	rddreg [dreg:$0x2];
	[bflag:$0x3] =	sbarrier.arrive $0xFFFF;
	s2 =	simm.s32 @!p0 $0x1C01  }
0x47: {  	[timem:s3], [sflag:s2] =	dma.local @!p0 [hbm:s0], s1  }
0x48: {  	s0 =	simm.s32 @!p0 $0x1  }
0x49: {  	_ =	swait.ge @!p0 [sflag:s0], s1  }
0x4a: {  	s1 =	ssub.s32 @!p0 $0x0, s1;
	[sflag:s0] =	ssyncset.done @!p0 $0x0  }
0x4b: {  	[sflag:s0] =	ssyncadd.s32 @!p0 s1  }
0x4c: {  	[bflag:$0x3] =	sbarrier.arrive $0xFFFF  }
0x4d: {  	_ =	shalt  }

</sc_bundles>
